<compile_context>
chip_gen: v7x
topology: tpu7x:2x2x1
jax: 0.10.2.dev20260603
libtpu: 0.0.44.dev20260713+nightly
codegen_flags: <defaults>
</compile_context>

<pallas_src>
import functools
import jax
import jax.numpy as jnp
from jax import lax
from jax.experimental import pallas as pl
from jax.experimental.pallas import tpu as pltpu
from jax.experimental.pallas import tpu_sc as plsc

BATCH = 16384
FIELDS = 26
DIM = 64
NC = 2
NS = 16
NW = NC * NS
BLK = BATCH // NW
BW = 128
CPB = BLK // BW
NTASK = FIELDS * CPB
NBUF = 4


def _make_emb():
  mesh = plsc.VectorSubcoreMesh(core_axis_name="c", subcore_axis_name="s")

  @functools.partial(
      pl.kernel,
      mesh=mesh,
      out_type=jax.ShapeDtypeStruct((FIELDS, BATCH, DIM), jnp.float32),
      scratch_types=[
          pltpu.VMEM((FIELDS * BLK,), jnp.int32),
          [pltpu.VMEM((BW, 2 * DIM), jnp.float32) for _ in range(NBUF)],
          [pltpu.VMEM((BW, DIM), jnp.float32) for _ in range(2)],
          [pltpu.SemaphoreType.DMA for _ in range(NBUF)],
          [pltpu.SemaphoreType.DMA for _ in range(2)],
          pltpu.SemaphoreType.DMA,
      ],
      compiler_params=pltpu.CompilerParams(needs_layout_passes=False),
  )
  def body(ids_hbm, w_hbm, out_hbm, idx_v, gb, cb, gsems, wsems, isem):
    wid = lax.axis_index("s") * NC + lax.axis_index("c")
    b0 = wid * BLK
    for f in range(FIELDS):
      pltpu.async_copy(
          ids_hbm.at[f, pl.ds(b0, BLK)], idx_v.at[pl.ds(f * BLK, BLK)], isem)
    for f in range(FIELDS):
      pltpu.make_async_copy(
          ids_hbm.at[0, pl.ds(0, BLK)], idx_v.at[pl.ds(0, BLK)], isem).wait()

    def idx_slice(t):
      return idx_v.at[pl.ds((t // CPB) * BLK + (t % CPB) * BW, BW)]

    for p in range(NBUF - 1):
      pltpu.async_copy(w_hbm.at[idx_slice(p)], gb[p], gsems[p])

    @pl.loop(0, NTASK, step=NBUF)
    def _(t0):
      for p in range(NBUF):
        t = t0 + p
        q = p % 2

        pltpu.make_async_copy(
            w_hbm.at[pl.ds(0, BW)], gb[p], gsems[p]).wait()

        @pl.when(t + NBUF - 1 < NTASK)
        def _():
          g = t + NBUF - 1
          pltpu.async_copy(
              w_hbm.at[idx_v.at[pl.ds((g // CPB) * BLK + (g % CPB) * BW, BW)]],
              gb[(p + NBUF - 1) % NBUF], gsems[(p + NBUF - 1) % NBUF])

        @pl.when(t >= 2)
        def _():
          pltpu.make_async_copy(
              cb[q], out_hbm.at[0, pl.ds(0, BW), :], wsems[q]).wait()

        @plsc.parallel_loop(0, BW, unroll=4)
        def _(r):
          for m in range(DIM // 16):
            cb[q][r, pl.ds(m * 16, 16)] = gb[p][r, pl.ds(m * 16, 16)]

        f = t // CPB
        pltpu.async_copy(
            cb[q], out_hbm.at[f, pl.ds(b0 + (t % CPB) * BW, BW), :], wsems[q])

    for q in range(2):
      pltpu.make_async_copy(
          cb[q], out_hbm.at[0, pl.ds(0, BW), :], wsems[q]).wait()

  return body


def kernel(input_ids, weight):
  ids_t = input_ids.T.astype(jnp.int32)
  wp = jnp.pad(weight, ((0, 0), (0, DIM)))
  out = _make_emb()(ids_t, wp)
  return out.transpose(1, 0, 2)

# --- scband reference (transcript-rebuilt; emitter-appended) ---
"""Pipeline reference for scband-embedding-11398843203679 (READ-ONLY COPY).

The authoritative reference and input builder live on the scoring server;
editing this copy changes nothing except your own understanding.
"""

import jax, jax.numpy as jnp
import numpy as np

NUM_EMBEDDINGS = 1000000
EMBEDDING_DIM = 64
BATCH = 16384
FIELDS = 26


def setup_inputs(seed: int = 0) -> dict:
    key = jax.random.key(seed)
    k_idx, k_w = jax.random.split(key)
    input_ids = jax.random.randint(k_idx, (BATCH, FIELDS), 0, NUM_EMBEDDINGS, dtype=jnp.int64 if jax.config.jax_enable_x64 else jnp.int32)
    weight = jax.random.normal(k_w, (NUM_EMBEDDINGS, EMBEDDING_DIM), dtype=jnp.float32) * 0.02
    return {"input_ids": input_ids, "weight": weight}


def reference(input_ids, weight):
    # F.embedding(input_ids, weight) -> gather rows of the table
    return jnp.take(weight, input_ids, axis=0)

if __name__ == "__main__":
    import jax
    _d = setup_inputs()
    print(jax.jit(kernel)(*tuple(_d.values())))

</pallas_src>

<mosaic_0001>
#map = affine_map<(d0, d1) -> (0, 0)>
#map1 = affine_map<(d0, d1) -> (0, 0, 0)>
module attributes {stable_mosaic.version = 14 : i64} {
  func.func @body(%arg0: i32, %arg1: i32, %arg2: memref<26x16384xi32, #tpu.memory_space<hbm>>, %arg3: memref<1000000x128xf32, #tpu.memory_space<hbm>>, %arg4: memref<26x16384x64xf32, #tpu.memory_space<hbm>>, %arg5: memref<13312xi32, #tpu.memory_space<vmem>>, %arg6: memref<128x128xf32, #tpu.memory_space<vmem>>, %arg7: memref<128x128xf32, #tpu.memory_space<vmem>>, %arg8: memref<128x128xf32, #tpu.memory_space<vmem>>, %arg9: memref<128x128xf32, #tpu.memory_space<vmem>>, %arg10: memref<128x64xf32, #tpu.memory_space<vmem>>, %arg11: memref<128x64xf32, #tpu.memory_space<vmem>>, %arg12: memref<!tpu.dma_semaphore, #tpu.memory_space<semaphore_mem>>, %arg13: memref<!tpu.dma_semaphore, #tpu.memory_space<semaphore_mem>>, %arg14: memref<!tpu.dma_semaphore, #tpu.memory_space<semaphore_mem>>, %arg15: memref<!tpu.dma_semaphore, #tpu.memory_space<semaphore_mem>>, %arg16: memref<!tpu.dma_semaphore, #tpu.memory_space<semaphore_mem>>, %arg17: memref<!tpu.dma_semaphore, #tpu.memory_space<semaphore_mem>>, %arg18: memref<!tpu.dma_semaphore, #tpu.memory_space<semaphore_mem>>) attributes {dimension_semantics = [#tpu.dimension_semantics<core_parallel>, #tpu.dimension_semantics<subcore_parallel>], iteration_bounds = array<i64: 2, 16>, scalar_prefetch = 0 : i64, scratch_operands = 14 : i64, tpu.core_type = #tpu.core_type<sc_vector_subcore>, window_params = [{transform_indices = #map}, {transform_indices = #map}, {transform_indices = #map1}]} {
    %mul3A = arith.constant 2 : i32
    %mul3A_0 = arith.muli %arg1, %mul3A : i32
    %add3A = arith.addi %mul3A_0, %arg0 : i32
    %mul3A_1 = arith.constant 512 : i32
    %mul3A_2 = arith.muli %add3A, %mul3A_1 : i32
    %dma_start3A = arith.constant 0 : i32
    %dma_start3A_3 = arith.constant 0 : i32
    %dma_start3A_4 = tpu.memref_slice %arg5[%dma_start3A_3] : memref<13312xi32, #tpu.memory_space<vmem>> -> memref<512xi32, #tpu.memory_space<vmem>>
    %dma_start3A_5 = tpu.memref_slice %arg2[%dma_start3A, %mul3A_2] : memref<26x16384xi32, #tpu.memory_space<hbm>> -> memref<1x512xi32, #tpu.memory_space<hbm>>
    %dma_start3A_6 = tpu.memref_squeeze %dma_start3A_5 : memref<1x512xi32, #tpu.memory_space<hbm>> -> memref<512xi32, #tpu.memory_space<hbm>>
    %dma_start3A_7 = arith.constant 0 : i32
    %dma_start3A_8 = tpu.memref_slice %arg5[%dma_start3A_7] : memref<13312xi32, #tpu.memory_space<vmem>> -> memref<512xi32, #tpu.memory_space<vmem>>
    %dma_start3A_9 = tpu.memref_slice %arg2[%dma_start3A, %mul3A_2] : memref<26x16384xi32, #tpu.memory_space<hbm>> -> memref<1x512xi32, #tpu.memory_space<hbm>>
    %dma_start3A_10 = tpu.memref_squeeze %dma_start3A_9 : memref<1x512xi32, #tpu.memory_space<hbm>> -> memref<512xi32, #tpu.memory_space<hbm>>
    tpu.enqueue_dma source(%dma_start3A_10 : memref<512xi32, #tpu.memory_space<hbm>>) target(%dma_start3A_8 : memref<512xi32, #tpu.memory_space<vmem>>) target_semaphore(%arg18 : memref<!tpu.dma_semaphore, #tpu.memory_space<semaphore_mem>>)
    %dma_start3A_11 = arith.constant 1 : i32
    %dma_start3A_12 = arith.constant 512 : i32
    %dma_start3A_13 = tpu.memref_slice %arg5[%dma_start3A_12] : memref<13312xi32, #tpu.memory_space<vmem>> -> memref<512xi32, #tpu.memory_space<vmem>>
    %dma_start3A_14 = tpu.memref_slice %arg2[%dma_start3A_11, %mul3A_2] : memref<26x16384xi32, #tpu.memory_space<hbm>> -> memref<1x512xi32, #tpu.memory_space<hbm>>
    %dma_start3A_15 = tpu.memref_squeeze %dma_start3A_14 : memref<1x512xi32, #tpu.memory_space<hbm>> -> memref<512xi32, #tpu.memory_space<hbm>>
    %dma_start3A_16 = arith.constant 512 : i32
    %dma_start3A_17 = tpu.memref_slice %arg5[%dma_start3A_16] : memref<13312xi32, #tpu.memory_space<vmem>> -> memref<512xi32, #tpu.memory_space<vmem>>
    %dma_start3A_18 = tpu.memref_slice %arg2[%dma_start3A_11, %mul3A_2] : memref<26x16384xi32, #tpu.memory_space<hbm>> -> memref<1x512xi32, #tpu.memory_space<hbm>>
    %dma_start3A_19 = tpu.memref_squeeze %dma_start3A_18 : memref<1x512xi32, #tpu.memory_space<hbm>> -> memref<512xi32, #tpu.memory_space<hbm>>
    tpu.enqueue_dma source(%dma_start3A_19 : memref<512xi32, #tpu.memory_space<hbm>>) target(%dma_start3A_17 : memref<512xi32, #tpu.memory_space<vmem>>) target_semaphore(%arg18 : memref<!tpu.dma_semaphore, #tpu.memory_space<semaphore_mem>>)
    %dma_start3A_20 = arith.constant 2 : i32
    %dma_start3A_21 = arith.constant 1024 : i32
    %dma_start3A_22 = tpu.memref_slice %arg5[%dma_start3A_21] : memref<13312xi32, #tpu.memory_space<vmem>> -> memref<512xi32, #tpu.memory_space<vmem>>
    %dma_start3A_23 = tpu.memref_slice %arg2[%dma_start3A_20, %mul3A_2] : memref<26x16384xi32, #tpu.memory_space<hbm>> -> memref<1x512xi32, #tpu.memory_space<hbm>>
    %dma_start3A_24 = tpu.memref_squeeze %dma_start3A_23 : memref<1x512xi32, #tpu.memory_space<hbm>> -> memref<512xi32, #tpu.memory_space<hbm>>
    %dma_start3A_25 = arith.constant 1024 : i32
    %dma_start3A_26 = tpu.memref_slice %arg5[%dma_start3A_25] : memref<13312xi32, #tpu.memory_space<vmem>> -> memref<512xi32, #tpu.memory_space<vmem>>
    %dma_start3A_27 = tpu.memref_slice %arg2[%dma_start3A_20, %mul3A_2] : memref<26x16384xi32, #tpu.memory_space<hbm>> -> memref<1x512xi32, #tpu.memory_space<hbm>>
    %dma_start3A_28 = tpu.memref_squeeze %dma_start3A_27 : memref<1x512xi32, #tpu.memory_space<hbm>> -> memref<512xi32, #tpu.memory_space<hbm>>
    tpu.enqueue_dma source(%dma_start3A_28 : memref<512xi32, #tpu.memory_space<hbm>>) target(%dma_start3A_26 : memref<512xi32, #tpu.memory_space<vmem>>) target_semaphore(%arg18 : memref<!tpu.dma_semaphore, #tpu.memory_space<semaphore_mem>>)
    %dma_start3A_29 = arith.constant 3 : i32
    %dma_start3A_30 = arith.constant 1536 : i32
    %dma_start3A_31 = tpu.memref_slice %arg5[%dma_start3A_30] : memref<13312xi32, #tpu.memory_space<vmem>> -> memref<512xi32, #tpu.memory_space<vmem>>
    %dma_start3A_32 = tpu.memref_slice %arg2[%dma_start3A_29, %mul3A_2] : memref<26x16384xi32, #tpu.memory_space<hbm>> -> memref<1x512xi32, #tpu.memory_space<hbm>>
    %dma_start3A_33 = tpu.memref_squeeze %dma_start3A_32 : memref<1x512xi32, #tpu.memory_space<hbm>> -> memref<512xi32, #tpu.memory_space<hbm>>
    %dma_start3A_34 = arith.constant 1536 : i32
    %dma_start3A_35 = tpu.memref_slice %arg5[%dma_start3A_34] : memref<13312xi32, #tpu.memory_space<vmem>> -> memref<512xi32, #tpu.memory_space<vmem>>
    %dma_start3A_36 = tpu.memref_slice %arg2[%dma_start3A_29, %mul3A_2] : memref<26x16384xi32, #tpu.memory_space<hbm>> -> memref<1x512xi32, #tpu.memory_space<hbm>>
    %dma_start3A_37 = tpu.memref_squeeze %dma_start3A_36 : memref<1x512xi32, #tpu.memory_space<hbm>> -> memref<512xi32, #tpu.memory_space<hbm>>
    tpu.enqueue_dma source(%dma_start3A_37 : memref<512xi32, #tpu.memory_space<hbm>>) target(%dma_start3A_35 : memref<512xi32, #tpu.memory_space<vmem>>) target_semaphore(%arg18 : memref<!tpu.dma_semaphore, #tpu.memory_space<semaphore_mem>>)
    %dma_start3A_38 = arith.constant 4 : i32
    %dma_start3A_39 = arith.constant 2048 : i32
    %dma_start3A_40 = tpu.memref_slice %arg5[%dma_start3A_39] : memref<13312xi32, #tpu.memory_space<vmem>> -> memref<512xi32, #tpu.memory_space<vmem>>
    %dma_start3A_41 = tpu.memref_slice %arg2[%dma_start3A_38, %mul3A_2] : memref<26x16384xi32, #tpu.memory_space<hbm>> -> memref<1x512xi32, #tpu.memory_space<hbm>>
    %dma_start3A_42 = tpu.memref_squeeze %dma_start3A_41 : memref<1x512xi32, #tpu.memory_space<hbm>> -> memref<512xi32, #tpu.memory_space<hbm>>
    %dma_start3A_43 = arith.constant 2048 : i32
    %dma_start3A_44 = tpu.memref_slice %arg5[%dma_start3A_43] : memref<13312xi32, #tpu.memory_space<vmem>> -> memref<512xi32, #tpu.memory_space<vmem>>
    %dma_start3A_45 = tpu.memref_slice %arg2[%dma_start3A_38, %mul3A_2] : memref<26x16384xi32, #tpu.memory_space<hbm>> -> memref<1x512xi32, #tpu.memory_space<hbm>>
    %dma_start3A_46 = tpu.memref_squeeze %dma_start3A_45 : memref<1x512xi32, #tpu.memory_space<hbm>> -> memref<512xi32, #tpu.memory_space<hbm>>
    tpu.enqueue_dma source(%dma_start3A_46 : memref<512xi32, #tpu.memory_space<hbm>>) target(%dma_start3A_44 : memref<512xi32, #tpu.memory_space<vmem>>) target_semaphore(%arg18 : memref<!tpu.dma_semaphore, #tpu.memory_space<semaphore_mem>>)
    %dma_start3A_47 = arith.constant 5 : i32
    %dma_start3A_48 = arith.constant 2560 : i32
    %dma_start3A_49 = tpu.memref_slice %arg5[%dma_start3A_48] : memref<13312xi32, #tpu.memory_space<vmem>> -> memref<512xi32, #tpu.memory_space<vmem>>
    %dma_start3A_50 = tpu.memref_slice %arg2[%dma_start3A_47, %mul3A_2] : memref<26x16384xi32, #tpu.memory_space<hbm>> -> memref<1x512xi32, #tpu.memory_space<hbm>>
    %dma_start3A_51 = tpu.memref_squeeze %dma_start3A_50 : memref<1x512xi32, #tpu.memory_space<hbm>> -> memref<512xi32, #tpu.memory_space<hbm>>
    %dma_start3A_52 = arith.constant 2560 : i32
    %dma_start3A_53 = tpu.memref_slice %arg5[%dma_start3A_52] : memref<13312xi32, #tpu.memory_space<vmem>> -> memref<512xi32, #tpu.memory_space<vmem>>
    %dma_start3A_54 = tpu.memref_slice %arg2[%dma_start3A_47, %mul3A_2] : memref<26x16384xi32, #tpu.memory_space<hbm>> -> memref<1x512xi32, #tpu.memory_space<hbm>>
    %dma_start3A_55 = tpu.memref_squeeze %dma_start3A_54 : memref<1x512xi32, #tpu.memory_space<hbm>> -> memref<512xi32, #tpu.memory_space<hbm>>
    tpu.enqueue_dma source(%dma_start3A_55 : memref<512xi32, #tpu.memory_space<hbm>>) target(%dma_start3A_53 : memref<512xi32, #tpu.memory_space<vmem>>) target_semaphore(%arg18 : memref<!tpu.dma_semaphore, #tpu.memory_space<semaphore_mem>>)
    %dma_start3A_56 = arith.constant 6 : i32
    %dma_start3A_57 = arith.constant 3072 : i32
    %dma_start3A_58 = tpu.memref_slice %arg5[%dma_start3A_57] : memref<13312xi32, #tpu.memory_space<vmem>> -> memref<512xi32, #tpu.memory_space<vmem>>
    %dma_start3A_59 = tpu.memref_slice %arg2[%dma_start3A_56, %mul3A_2] : memref<26x16384xi32, #tpu.memory_space<hbm>> -> memref<1x512xi32, #tpu.memory_space<hbm>>
    %dma_start3A_60 = tpu.memref_squeeze %dma_start3A_59 : memref<1x512xi32, #tpu.memory_space<hbm>> -> memref<512xi32, #tpu.memory_space<hbm>>
    %dma_start3A_61 = arith.constant 3072 : i32
    %dma_start3A_62 = tpu.memref_slice %arg5[%dma_start3A_61] : memref<13312xi32, #tpu.memory_space<vmem>> -> memref<512xi32, #tpu.memory_space<vmem>>
    %dma_start3A_63 = tpu.memref_slice %arg2[%dma_start3A_56, %mul3A_2] : memref<26x16384xi32, #tpu.memory_space<hbm>> -> memref<1x512xi32, #tpu.memory_space<hbm>>
    %dma_start3A_64 = tpu.memref_squeeze %dma_start3A_63 : memref<1x512xi32, #tpu.memory_space<hbm>> -> memref<512xi32, #tpu.memory_space<hbm>>
    tpu.enqueue_dma source(%dma_start3A_64 : memref<512xi32, #tpu.memory_space<hbm>>) target(%dma_start3A_62 : memref<512xi32, #tpu.memory_space<vmem>>) target_semaphore(%arg18 : memref<!tpu.dma_semaphore, #tpu.memory_space<semaphore_mem>>)
    %dma_start3A_65 = arith.constant 7 : i32
    %dma_start3A_66 = arith.constant 3584 : i32
    %dma_start3A_67 = tpu.memref_slice %arg5[%dma_start3A_66] : memref<13312xi32, #tpu.memory_space<vmem>> -> memref<512xi32, #tpu.memory_space<vmem>>
    %dma_start3A_68 = tpu.memref_slice %arg2[%dma_start3A_65, %mul3A_2] : memref<26x16384xi32, #tpu.memory_space<hbm>> -> memref<1x512xi32, #tpu.memory_space<hbm>>
    %dma_start3A_69 = tpu.memref_squeeze %dma_start3A_68 : memref<1x512xi32, #tpu.memory_space<hbm>> -> memref<512xi32, #tpu.memory_space<hbm>>
    %dma_start3A_70 = arith.constant 3584 : i32
    %dma_start3A_71 = tpu.memref_slice %arg5[%dma_start3A_70] : memref<13312xi32, #tpu.memory_space<vmem>> -> memref<512xi32, #tpu.memory_space<vmem>>
    %dma_start3A_72 = tpu.memref_slice %arg2[%dma_start3A_65, %mul3A_2] : memref<26x16384xi32, #tpu.memory_space<hbm>> -> memref<1x512xi32, #tpu.memory_space<hbm>>
    %dma_start3A_73 = tpu.memref_squeeze %dma_start3A_72 : memref<1x512xi32, #tpu.memory_space<hbm>> -> memref<512xi32, #tpu.memory_space<hbm>>
    tpu.enqueue_dma source(%dma_start3A_73 : memref<512xi32, #tpu.memory_space<hbm>>) target(%dma_start3A_71 : memref<512xi32, #tpu.memory_space<vmem>>) target_semaphore(%arg18 : memref<!tpu.dma_semaphore, #tpu.memory_space<semaphore_mem>>)
    %dma_start3A_74 = arith.constant 8 : i32
    %dma_start3A_75 = arith.constant 4096 : i32
    %dma_start3A_76 = tpu.memref_slice %arg5[%dma_start3A_75] : memref<13312xi32, #tpu.memory_space<vmem>> -> memref<512xi32, #tpu.memory_space<vmem>>
    %dma_start3A_77 = tpu.memref_slice %arg2[%dma_start3A_74, %mul3A_2] : memref<26x16384xi32, #tpu.memory_space<hbm>> -> memref<1x512xi32, #tpu.memory_space<hbm>>
    %dma_start3A_78 = tpu.memref_squeeze %dma_start3A_77 : memref<1x512xi32, #tpu.memory_space<hbm>> -> memref<512xi32, #tpu.memory_space<hbm>>
    %dma_start3A_79 = arith.constant 4096 : i32
    %dma_start3A_80 = tpu.memref_slice %arg5[%dma_start3A_79] : memref<13312xi32, #tpu.memory_space<vmem>> -> memref<512xi32, #tpu.memory_space<vmem>>
    %dma_start3A_81 = tpu.memref_slice %arg2[%dma_start3A_74, %mul3A_2] : memref<26x16384xi32, #tpu.memory_space<hbm>> -> memref<1x512xi32, #tpu.memory_space<hbm>>
    %dma_start3A_82 = tpu.memref_squeeze %dma_start3A_81 : memref<1x512xi32, #tpu.memory_space<hbm>> -> memref<512xi32, #tpu.memory_space<hbm>>
    tpu.enqueue_dma source(%dma_start3A_82 : memref<512xi32, #tpu.memory_space<hbm>>) target(%dma_start3A_80 : memref<512xi32, #tpu.memory_space<vmem>>) target_semaphore(%arg18 : memref<!tpu.dma_semaphore, #tpu.memory_space<semaphore_mem>>)
    %dma_start3A_83 = arith.constant 9 : i32
    %dma_start3A_84 = arith.constant 4608 : i32
    %dma_start3A_85 = tpu.memref_slice %arg5[%dma_start3A_84] : memref<13312xi32, #tpu.memory_space<vmem>> -> memref<512xi32, #tpu.memory_space<vmem>>
    %dma_start3A_86 = tpu.memref_slice %arg2[%dma_start3A_83, %mul3A_2] : memref<26x16384xi32, #tpu.memory_space<hbm>> -> memref<1x512xi32, #tpu.memory_space<hbm>>
    %dma_start3A_87 = tpu.memref_squeeze %dma_start3A_86 : memref<1x512xi32, #tpu.memory_space<hbm>> -> memref<512xi32, #tpu.memory_space<hbm>>
    %dma_start3A_88 = arith.constant 4608 : i32
    %dma_start3A_89 = tpu.memref_slice %arg5[%dma_start3A_88] : memref<13312xi32, #tpu.memory_space<vmem>> -> memref<512xi32, #tpu.memory_space<vmem>>
    %dma_start3A_90 = tpu.memref_slice %arg2[%dma_start3A_83, %mul3A_2] : memref<26x16384xi32, #tpu.memory_space<hbm>> -> memref<1x512xi32, #tpu.memory_space<hbm>>
    %dma_start3A_91 = tpu.memref_squeeze %dma_start3A_90 : memref<1x512xi32, #tpu.memory_space<hbm>> -> memref<512xi32, #tpu.memory_space<hbm>>
    tpu.enqueue_dma source(%dma_start3A_91 : memref<512xi32, #tpu.memory_space<hbm>>) target(%dma_start3A_89 : memref<512xi32, #tpu.memory_space<vmem>>) target_semaphore(%arg18 : memref<!tpu.dma_semaphore, #tpu.memory_space<semaphore_mem>>)
    %dma_start3A_92 = arith.constant 10 : i32
    %dma_start3A_93 = arith.constant 5120 : i32
    %dma_start3A_94 = tpu.memref_slice %arg5[%dma_start3A_93] : memref<13312xi32, #tpu.memory_space<vmem>> -> memref<512xi32, #tpu.memory_space<vmem>>
    %dma_start3A_95 = tpu.memref_slice %arg2[%dma_start3A_92, %mul3A_2] : memref<26x16384xi32, #tpu.memory_space<hbm>> -> memref<1x512xi32, #tpu.memory_space<hbm>>
    %dma_start3A_96 = tpu.memref_squeeze %dma_start3A_95 : memref<1x512xi32, #tpu.memory_space<hbm>> -> memref<512xi32, #tpu.memory_space<hbm>>
    %dma_start3A_97 = arith.constant 5120 : i32
    %dma_start3A_98 = tpu.memref_slice %arg5[%dma_start3A_97] : memref<13312xi32, #tpu.memory_space<vmem>> -> memref<512xi32, #tpu.memory_space<vmem>>
    %dma_start3A_99 = tpu.memref_slice %arg2[%dma_start3A_92, %mul3A_2] : memref<26x16384xi32, #tpu.memory_space<hbm>> -> memref<1x512xi32, #tpu.memory_space<hbm>>
    %dma_start3A_100 = tpu.memref_squeeze %dma_start3A_99 : memref<1x512xi32, #tpu.memory_space<hbm>> -> memref<512xi32, #tpu.memory_space<hbm>>
    tpu.enqueue_dma source(%dma_start3A_100 : memref<512xi32, #tpu.memory_space<hbm>>) target(%dma_start3A_98 : memref<512xi32, #tpu.memory_space<vmem>>) target_semaphore(%arg18 : memref<!tpu.dma_semaphore, #tpu.memory_space<semaphore_mem>>)
    %dma_start3A_101 = arith.constant 11 : i32
    %dma_start3A_102 = arith.constant 5632 : i32
    %dma_start3A_103 = tpu.memref_slice %arg5[%dma_start3A_102] : memref<13312xi32, #tpu.memory_space<vmem>> -> memref<512xi32, #tpu.memory_space<vmem>>
    %dma_start3A_104 = tpu.memref_slice %arg2[%dma_start3A_101, %mul3A_2] : memref<26x16384xi32, #tpu.memory_space<hbm>> -> memref<1x512xi32, #tpu.memory_space<hbm>>
    %dma_start3A_105 = tpu.memref_squeeze %dma_start3A_104 : memref<1x512xi32, #tpu.memory_space<hbm>> -> memref<512xi32, #tpu.memory_space<hbm>>
    %dma_start3A_106 = arith.constant 5632 : i32
    %dma_start3A_107 = tpu.memref_slice %arg5[%dma_start3A_106] : memref<13312xi32, #tpu.memory_space<vmem>> -> memref<512xi32, #tpu.memory_space<vmem>>
    %dma_start3A_108 = tpu.memref_slice %arg2[%dma_start3A_101, %mul3A_2] : memref<26x16384xi32, #tpu.memory_space<hbm>> -> memref<1x512xi32, #tpu.memory_space<hbm>>
    %dma_start3A_109 = tpu.memref_squeeze %dma_start3A_108 : memref<1x512xi32, #tpu.memory_space<hbm>> -> memref<512xi32, #tpu.memory_space<hbm>>
    tpu.enqueue_dma source(%dma_start3A_109 : memref<512xi32, #tpu.memory_space<hbm>>) target(%dma_start3A_107 : memref<512xi32, #tpu.memory_space<vmem>>) target_semaphore(%arg18 : memref<!tpu.dma_semaphore, #tpu.memory_space<semaphore_mem>>)
    %dma_start3A_110 = arith.constant 12 : i32
    %dma_start3A_111 = arith.constant 6144 : i32
    %dma_start3A_112 = tpu.memref_slice %arg5[%dma_start3A_111] : memref<13312xi32, #tpu.memory_space<vmem>> -> memref<512xi32, #tpu.memory_space<vmem>>
    %dma_start3A_113 = tpu.memref_slice %arg2[%dma_start3A_110, %mul3A_2] : memref<26x16384xi32, #tpu.memory_space<hbm>> -> memref<1x512xi32, #tpu.memory_space<hbm>>
    %dma_start3A_114 = tpu.memref_squeeze %dma_start3A_113 : memref<1x512xi32, #tpu.memory_space<hbm>> -> memref<512xi32, #tpu.memory_space<hbm>>
    %dma_start3A_115 = arith.constant 6144 : i32
    %dma_start3A_116 = tpu.memref_slice %arg5[%dma_start3A_115] : memref<13312xi32, #tpu.memory_space<vmem>> -> memref<512xi32, #tpu.memory_space<vmem>>
    %dma_start3A_117 = tpu.memref_slice %arg2[%dma_start3A_110, %mul3A_2] : memref<26x16384xi32, #tpu.memory_space<hbm>> -> memref<1x512xi32, #tpu.memory_space<hbm>>
    %dma_start3A_118 = tpu.memref_squeeze %dma_start3A_117 : memref<1x512xi32, #tpu.memory_space<hbm>> -> memref<512xi32, #tpu.memory_space<hbm>>
    tpu.enqueue_dma source(%dma_start3A_118 : memref<512xi32, #tpu.memory_space<hbm>>) target(%dma_start3A_116 : memref<512xi32, #tpu.memory_space<vmem>>) target_semaphore(%arg18 : memref<!tpu.dma_semaphore, #tpu.memory_space<semaphore_mem>>)
    %dma_start3A_119 = arith.constant 13 : i32
    %dma_start3A_120 = arith.constant 6656 : i32
    %dma_start3A_121 = tpu.memref_slice %arg5[%dma_start3A_120] : memref<13312xi32, #tpu.memory_space<vmem>> -> memref<512xi32, #tpu.memory_space<vmem>>
    %dma_start3A_122 = tpu.memref_slice %arg2[%dma_start3A_119, %mul3A_2] : memref<26x16384xi32, #tpu.memory_space<hbm>> -> memref<1x512xi32, #tpu.memory_space<hbm>>
    %dma_start3A_123 = tpu.memref_squeeze %dma_start3A_122 : memref<1x512xi32, #tpu.memory_space<hbm>> -> memref<512xi32, #tpu.memory_space<hbm>>
    %dma_start3A_124 = arith.constant 6656 : i32
    %dma_start3A_125 = tpu.memref_slice %arg5[%dma_start3A_124] : memref<13312xi32, #tpu.memory_space<vmem>> -> memref<512xi32, #tpu.memory_space<vmem>>
    %dma_start3A_126 = tpu.memref_slice %arg2[%dma_start3A_119, %mul3A_2] : memref<26x16384xi32, #tpu.memory_space<hbm>> -> memref<1x512xi32, #tpu.memory_space<hbm>>
    %dma_start3A_127 = tpu.memref_squeeze %dma_start3A_126 : memref<1x512xi32, #tpu.memory_space<hbm>> -> memref<512xi32, #tpu.memory_space<hbm>>
    tpu.enqueue_dma source(%dma_start3A_127 : memref<512xi32, #tpu.memory_space<hbm>>) target(%dma_start3A_125 : memref<512xi32, #tpu.memory_space<vmem>>) target_semaphore(%arg18 : memref<!tpu.dma_semaphore, #tpu.memory_space<semaphore_mem>>)
    %dma_start3A_128 = arith.constant 14 : i32
    %dma_start3A_129 = arith.constant 7168 : i32
    %dma_start3A_130 = tpu.memref_slice %arg5[%dma_start3A_129] : memref<13312xi32, #tpu.memory_space<vmem>> -> memref<512xi32, #tpu.memory_space<vmem>>
    %dma_start3A_131 = tpu.memref_slice %arg2[%dma_start3A_128, %mul3A_2] : memref<26x16384xi32, #tpu.memory_space<hbm>> -> memref<1x512xi32, #tpu.memory_space<hbm>>
    %dma_start3A_132 = tpu.memref_squeeze %dma_start3A_131 : memref<1x512xi32, #tpu.memory_space<hbm>> -> memref<512xi32, #tpu.memory_space<hbm>>
    %dma_start3A_133 = arith.constant 7168 : i32
    %dma_start3A_134 = tpu.memref_slice %arg5[%dma_start3A_133] : memref<13312xi32, #tpu.memory_space<vmem>> -> memref<512xi32, #tpu.memory_space<vmem>>
    %dma_start3A_135 = tpu.memref_slice %arg2[%dma_start3A_128, %mul3A_2] : memref<26x16384xi32, #tpu.memory_space<hbm>> -> memref<1x512xi32, #tpu.memory_space<hbm>>
    %dma_start3A_136 = tpu.memref_squeeze %dma_start3A_135 : memref<1x512xi32, #tpu.memory_space<hbm>> -> memref<512xi32, #tpu.memory_space<hbm>>
    tpu.enqueue_dma source(%dma_start3A_136 : memref<512xi32, #tpu.memory_space<hbm>>) target(%dma_start3A_134 : memref<512xi32, #tpu.memory_space<vmem>>) target_semaphore(%arg18 : memref<!tpu.dma_semaphore, #tpu.memory_space<semaphore_mem>>)
    %dma_start3A_137 = arith.constant 15 : i32
    %dma_start3A_138 = arith.constant 7680 : i32
    %dma_start3A_139 = tpu.memref_slice %arg5[%dma_start3A_138] : memref<13312xi32, #tpu.memory_space<vmem>> -> memref<512xi32, #tpu.memory_space<vmem>>
    %dma_start3A_140 = tpu.memref_slice %arg2[%dma_start3A_137, %mul3A_2] : memref<26x16384xi32, #tpu.memory_space<hbm>> -> memref<1x512xi32, #tpu.memory_space<hbm>>
    %dma_start3A_141 = tpu.memref_squeeze %dma_start3A_140 : memref<1x512xi32, #tpu.memory_space<hbm>> -> memref<512xi32, #tpu.memory_space<hbm>>
    %dma_start3A_142 = arith.constant 7680 : i32
    %dma_start3A_143 = tpu.memref_slice %arg5[%dma_start3A_142] : memref<13312xi32, #tpu.memory_space<vmem>> -> memref<512xi32, #tpu.memory_space<vmem>>
    %dma_start3A_144 = tpu.memref_slice %arg2[%dma_start3A_137, %mul3A_2] : memref<26x16384xi32, #tpu.memory_space<hbm>> -> memref<1x512xi32, #tpu.memory_space<hbm>>
    %dma_start3A_145 = tpu.memref_squeeze %dma_start3A_144 : memref<1x512xi32, #tpu.memory_space<hbm>> -> memref<512xi32, #tpu.memory_space<hbm>>
    tpu.enqueue_dma source(%dma_start3A_145 : memref<512xi32, #tpu.memory_space<hbm>>) target(%dma_start3A_143 : memref<512xi32, #tpu.memory_space<vmem>>) target_semaphore(%arg18 : memref<!tpu.dma_semaphore, #tpu.memory_space<semaphore_mem>>)
    %dma_start3A_146 = arith.constant 16 : i32
    %dma_start3A_147 = arith.constant 8192 : i32
    %dma_start3A_148 = tpu.memref_slice %arg5[%dma_start3A_147] : memref<13312xi32, #tpu.memory_space<vmem>> -> memref<512xi32, #tpu.memory_space<vmem>>
    %dma_start3A_149 = tpu.memref_slice %arg2[%dma_start3A_146, %mul3A_2] : memref<26x16384xi32, #tpu.memory_space<hbm>> -> memref<1x512xi32, #tpu.memory_space<hbm>>
    %dma_start3A_150 = tpu.memref_squeeze %dma_start3A_149 : memref<1x512xi32, #tpu.memory_space<hbm>> -> memref<512xi32, #tpu.memory_space<hbm>>
    %dma_start3A_151 = arith.constant 8192 : i32
    %dma_start3A_152 = tpu.memref_slice %arg5[%dma_start3A_151] : memref<13312xi32, #tpu.memory_space<vmem>> -> memref<512xi32, #tpu.memory_space<vmem>>
    %dma_start3A_153 = tpu.memref_slice %arg2[%dma_start3A_146, %mul3A_2] : memref<26x16384xi32, #tpu.memory_space<hbm>> -> memref<1x512xi32, #tpu.memory_space<hbm>>
    %dma_start3A_154 = tpu.memref_squeeze %dma_start3A_153 : memref<1x512xi32, #tpu.memory_space<hbm>> -> memref<512xi32, #tpu.memory_space<hbm>>
    tpu.enqueue_dma source(%dma_start3A_154 : memref<512xi32, #tpu.memory_space<hbm>>) target(%dma_start3A_152 : memref<512xi32, #tpu.memory_space<vmem>>) target_semaphore(%arg18 : memref<!tpu.dma_semaphore, #tpu.memory_space<semaphore_mem>>)
    %dma_start3A_155 = arith.constant 17 : i32
    %dma_start3A_156 = arith.constant 8704 : i32
    %dma_start3A_157 = tpu.memref_slice %arg5[%dma_start3A_156] : memref<13312xi32, #tpu.memory_space<vmem>> -> memref<512xi32, #tpu.memory_space<vmem>>
    %dma_start3A_158 = tpu.memref_slice %arg2[%dma_start3A_155, %mul3A_2] : memref<26x16384xi32, #tpu.memory_space<hbm>> -> memref<1x512xi32, #tpu.memory_space<hbm>>
    %dma_start3A_159 = tpu.memref_squeeze %dma_start3A_158 : memref<1x512xi32, #tpu.memory_space<hbm>> -> memref<512xi32, #tpu.memory_space<hbm>>
    %dma_start3A_160 = arith.constant 8704 : i32
    %dma_start3A_161 = tpu.memref_slice %arg5[%dma_start3A_160] : memref<13312xi32, #tpu.memory_space<vmem>> -> memref<512xi32, #tpu.memory_space<vmem>>
    %dma_start3A_162 = tpu.memref_slice %arg2[%dma_start3A_155, %mul3A_2] : memref<26x16384xi32, #tpu.memory_space<hbm>> -> memref<1x512xi32, #tpu.memory_space<hbm>>
    %dma_start3A_163 = tpu.memref_squeeze %dma_start3A_162 : memref<1x512xi32, #tpu.memory_space<hbm>> -> memref<512xi32, #tpu.memory_space<hbm>>
    tpu.enqueue_dma source(%dma_start3A_163 : memref<512xi32, #tpu.memory_space<hbm>>) target(%dma_start3A_161 : memref<512xi32, #tpu.memory_space<vmem>>) target_semaphore(%arg18 : memref<!tpu.dma_semaphore, #tpu.memory_space<semaphore_mem>>)
    %dma_start3A_164 = arith.constant 18 : i32
    %dma_start3A_165 = arith.constant 9216 : i32
    %dma_start3A_166 = tpu.memref_slice %arg5[%dma_start3A_165] : memref<13312xi32, #tpu.memory_space<vmem>> -> memref<512xi32, #tpu.memory_space<vmem>>
    %dma_start3A_167 = tpu.memref_slice %arg2[%dma_start3A_164, %mul3A_2] : memref<26x16384xi32, #tpu.memory_space<hbm>> -> memref<1x512xi32, #tpu.memory_space<hbm>>
    %dma_start3A_168 = tpu.memref_squeeze %dma_start3A_167 : memref<1x512xi32, #tpu.memory_space<hbm>> -> memref<512xi32, #tpu.memory_space<hbm>>
    %dma_start3A_169 = arith.constant 9216 : i32
    %dma_start3A_170 = tpu.memref_slice %arg5[%dma_start3A_169] : memref<13312xi32, #tpu.memory_space<vmem>> -> memref<512xi32, #tpu.memory_space<vmem>>
    %dma_start3A_171 = tpu.memref_slice %arg2[%dma_start3A_164, %mul3A_2] : memref<26x16384xi32, #tpu.memory_space<hbm>> -> memref<1x512xi32, #tpu.memory_space<hbm>>
    %dma_start3A_172 = tpu.memref_squeeze %dma_start3A_171 : memref<1x512xi32, #tpu.memory_space<hbm>> -> memref<512xi32, #tpu.memory_space<hbm>>
    tpu.enqueue_dma source(%dma_start3A_172 : memref<512xi32, #tpu.memory_space<hbm>>) target(%dma_start3A_170 : memref<512xi32, #tpu.memory_space<vmem>>) target_semaphore(%arg18 : memref<!tpu.dma_semaphore, #tpu.memory_space<semaphore_mem>>)
    %dma_start3A_173 = arith.constant 19 : i32
    %dma_start3A_174 = arith.constant 9728 : i32
    %dma_start3A_175 = tpu.memref_slice %arg5[%dma_start3A_174] : memref<13312xi32, #tpu.memory_space<vmem>> -> memref<512xi32, #tpu.memory_space<vmem>>
    %dma_start3A_176 = tpu.memref_slice %arg2[%dma_start3A_173, %mul3A_2] : memref<26x16384xi32, #tpu.memory_space<hbm>> -> memref<1x512xi32, #tpu.memory_space<hbm>>
    %dma_start3A_177 = tpu.memref_squeeze %dma_start3A_176 : memref<1x512xi32, #tpu.memory_space<hbm>> -> memref<512xi32, #tpu.memory_space<hbm>>
    %dma_start3A_178 = arith.constant 9728 : i32
    %dma_start3A_179 = tpu.memref_slice %arg5[%dma_start3A_178] : memref<13312xi32, #tpu.memory_space<vmem>> -> memref<512xi32, #tpu.memory_space<vmem>>
    %dma_start3A_180 = tpu.memref_slice %arg2[%dma_start3A_173, %mul3A_2] : memref<26x16384xi32, #tpu.memory_space<hbm>> -> memref<1x512xi32, #tpu.memory_space<hbm>>
    %dma_start3A_181 = tpu.memref_squeeze %dma_start3A_180 : memref<1x512xi32, #tpu.memory_space<hbm>> -> memref<512xi32, #tpu.memory_space<hbm>>
    tpu.enqueue_dma source(%dma_start3A_181 : memref<512xi32, #tpu.memory_space<hbm>>) target(%dma_start3A_179 : memref<512xi32, #tpu.memory_space<vmem>>) target_semaphore(%arg18 : memref<!tpu.dma_semaphore, #tpu.memory_space<semaphore_mem>>)
    %dma_start3A_182 = arith.constant 20 : i32
    %dma_start3A_183 = arith.constant 10240 : i32
    %dma_start3A_184 = tpu.memref_slice %arg5[%dma_start3A_183] : memref<13312xi32, #tpu.memory_space<vmem>> -> memref<512xi32, #tpu.memory_space<vmem>>
    %dma_start3A_185 = tpu.memref_slice %arg2[%dma_start3A_182, %mul3A_2] : memref<26x16384xi32, #tpu.memory_space<hbm>> -> memref<1x512xi32, #tpu.memory_space<hbm>>
    %dma_start3A_186 = tpu.memref_squeeze %dma_start3A_185 : memref<1x512xi32, #tpu.memory_space<hbm>> -> memref<512xi32, #tpu.memory_space<hbm>>
    %dma_start3A_187 = arith.constant 10240 : i32
    %dma_start3A_188 = tpu.memref_slice %arg5[%dma_start3A_187] : memref<13312xi32, #tpu.memory_space<vmem>> -> memref<512xi32, #tpu.memory_space<vmem>>
    %dma_start3A_189 = tpu.memref_slice %arg2[%dma_start3A_182, %mul3A_2] : memref<26x16384xi32, #tpu.memory_space<hbm>> -> memref<1x512xi32, #tpu.memory_space<hbm>>
    %dma_start3A_190 = tpu.memref_squeeze %dma_start3A_189 : memref<1x512xi32, #tpu.memory_space<hbm>> -> memref<512xi32, #tpu.memory_space<hbm>>
    tpu.enqueue_dma source(%dma_start3A_190 : memref<512xi32, #tpu.memory_space<hbm>>) target(%dma_start3A_188 : memref<512xi32, #tpu.memory_space<vmem>>) target_semaphore(%arg18 : memref<!tpu.dma_semaphore, #tpu.memory_space<semaphore_mem>>)
    %dma_start3A_191 = arith.constant 21 : i32
    %dma_start3A_192 = arith.constant 10752 : i32
    %dma_start3A_193 = tpu.memref_slice %arg5[%dma_start3A_192] : memref<13312xi32, #tpu.memory_space<vmem>> -> memref<512xi32, #tpu.memory_space<vmem>>
    %dma_start3A_194 = tpu.memref_slice %arg2[%dma_start3A_191, %mul3A_2] : memref<26x16384xi32, #tpu.memory_space<hbm>> -> memref<1x512xi32, #tpu.memory_space<hbm>>
    %dma_start3A_195 = tpu.memref_squeeze %dma_start3A_194 : memref<1x512xi32, #tpu.memory_space<hbm>> -> memref<512xi32, #tpu.memory_space<hbm>>
    %dma_start3A_196 = arith.constant 10752 : i32
    %dma_start3A_197 = tpu.memref_slice %arg5[%dma_start3A_196] : memref<13312xi32, #tpu.memory_space<vmem>> -> memref<512xi32, #tpu.memory_space<vmem>>
    %dma_start3A_198 = tpu.memref_slice %arg2[%dma_start3A_191, %mul3A_2] : memref<26x16384xi32, #tpu.memory_space<hbm>> -> memref<1x512xi32, #tpu.memory_space<hbm>>
    %dma_start3A_199 = tpu.memref_squeeze %dma_start3A_198 : memref<1x512xi32, #tpu.memory_space<hbm>> -> memref<512xi32, #tpu.memory_space<hbm>>
    tpu.enqueue_dma source(%dma_start3A_199 : memref<512xi32, #tpu.memory_space<hbm>>) target(%dma_start3A_197 : memref<512xi32, #tpu.memory_space<vmem>>) target_semaphore(%arg18 : memref<!tpu.dma_semaphore, #tpu.memory_space<semaphore_mem>>)
    %dma_start3A_200 = arith.constant 22 : i32
    %dma_start3A_201 = arith.constant 11264 : i32
    %dma_start3A_202 = tpu.memref_slice %arg5[%dma_start3A_201] : memref<13312xi32, #tpu.memory_space<vmem>> -> memref<512xi32, #tpu.memory_space<vmem>>
    %dma_start3A_203 = tpu.memref_slice %arg2[%dma_start3A_200, %mul3A_2] : memref<26x16384xi32, #tpu.memory_space<hbm>> -> memref<1x512xi32, #tpu.memory_space<hbm>>
    %dma_start3A_204 = tpu.memref_squeeze %dma_start3A_203 : memref<1x512xi32, #tpu.memory_space<hbm>> -> memref<512xi32, #tpu.memory_space<hbm>>
    %dma_start3A_205 = arith.constant 11264 : i32
    %dma_start3A_206 = tpu.memref_slice %arg5[%dma_start3A_205] : memref<13312xi32, #tpu.memory_space<vmem>> -> memref<512xi32, #tpu.memory_space<vmem>>
    %dma_start3A_207 = tpu.memref_slice %arg2[%dma_start3A_200, %mul3A_2] : memref<26x16384xi32, #tpu.memory_space<hbm>> -> memref<1x512xi32, #tpu.memory_space<hbm>>
    %dma_start3A_208 = tpu.memref_squeeze %dma_start3A_207 : memref<1x512xi32, #tpu.memory_space<hbm>> -> memref<512xi32, #tpu.memory_space<hbm>>
    tpu.enqueue_dma source(%dma_start3A_208 : memref<512xi32, #tpu.memory_space<hbm>>) target(%dma_start3A_206 : memref<512xi32, #tpu.memory_space<vmem>>) target_semaphore(%arg18 : memref<!tpu.dma_semaphore, #tpu.memory_space<semaphore_mem>>)
    %dma_start3A_209 = arith.constant 23 : i32
    %dma_start3A_210 = arith.constant 11776 : i32
    %dma_start3A_211 = tpu.memref_slice %arg5[%dma_start3A_210] : memref<13312xi32, #tpu.memory_space<vmem>> -> memref<512xi32, #tpu.memory_space<vmem>>
    %dma_start3A_212 = tpu.memref_slice %arg2[%dma_start3A_209, %mul3A_2] : memref<26x16384xi32, #tpu.memory_space<hbm>> -> memref<1x512xi32, #tpu.memory_space<hbm>>
    %dma_start3A_213 = tpu.memref_squeeze %dma_start3A_212 : memref<1x512xi32, #tpu.memory_space<hbm>> -> memref<512xi32, #tpu.memory_space<hbm>>
    %dma_start3A_214 = arith.constant 11776 : i32
    %dma_start3A_215 = tpu.memref_slice %arg5[%dma_start3A_214] : memref<13312xi32, #tpu.memory_space<vmem>> -> memref<512xi32, #tpu.memory_space<vmem>>
    %dma_start3A_216 = tpu.memref_slice %arg2[%dma_start3A_209, %mul3A_2] : memref<26x16384xi32, #tpu.memory_space<hbm>> -> memref<1x512xi32, #tpu.memory_space<hbm>>
    %dma_start3A_217 = tpu.memref_squeeze %dma_start3A_216 : memref<1x512xi32, #tpu.memory_space<hbm>> -> memref<512xi32, #tpu.memory_space<hbm>>
    tpu.enqueue_dma source(%dma_start3A_217 : memref<512xi32, #tpu.memory_space<hbm>>) target(%dma_start3A_215 : memref<512xi32, #tpu.memory_space<vmem>>) target_semaphore(%arg18 : memref<!tpu.dma_semaphore, #tpu.memory_space<semaphore_mem>>)
    %dma_start3A_218 = arith.constant 24 : i32
    %dma_start3A_219 = arith.constant 12288 : i32
    %dma_start3A_220 = tpu.memref_slice %arg5[%dma_start3A_219] : memref<13312xi32, #tpu.memory_space<vmem>> -> memref<512xi32, #tpu.memory_space<vmem>>
    %dma_start3A_221 = tpu.memref_slice %arg2[%dma_start3A_218, %mul3A_2] : memref<26x16384xi32, #tpu.memory_space<hbm>> -> memref<1x512xi32, #tpu.memory_space<hbm>>
    %dma_start3A_222 = tpu.memref_squeeze %dma_start3A_221 : memref<1x512xi32, #tpu.memory_space<hbm>> -> memref<512xi32, #tpu.memory_space<hbm>>
    %dma_start3A_223 = arith.constant 12288 : i32
    %dma_start3A_224 = tpu.memref_slice %arg5[%dma_start3A_223] : memref<13312xi32, #tpu.memory_space<vmem>> -> memref<512xi32, #tpu.memory_space<vmem>>
    %dma_start3A_225 = tpu.memref_slice %arg2[%dma_start3A_218, %mul3A_2] : memref<26x16384xi32, #tpu.memory_space<hbm>> -> memref<1x512xi32, #tpu.memory_space<hbm>>
    %dma_start3A_226 = tpu.memref_squeeze %dma_start3A_225 : memref<1x512xi32, #tpu.memory_space<hbm>> -> memref<512xi32, #tpu.memory_space<hbm>>
    tpu.enqueue_dma source(%dma_start3A_226 : memref<512xi32, #tpu.memory_space<hbm>>) target(%dma_start3A_224 : memref<512xi32, #tpu.memory_space<vmem>>) target_semaphore(%arg18 : memref<!tpu.dma_semaphore, #tpu.memory_space<semaphore_mem>>)
    %dma_start3A_227 = arith.constant 25 : i32
    %dma_start3A_228 = arith.constant 12800 : i32
    %dma_start3A_229 = tpu.memref_slice %arg5[%dma_start3A_228] : memref<13312xi32, #tpu.memory_space<vmem>> -> memref<512xi32, #tpu.memory_space<vmem>>
    %dma_start3A_230 = tpu.memref_slice %arg2[%dma_start3A_227, %mul3A_2] : memref<26x16384xi32, #tpu.memory_space<hbm>> -> memref<1x512xi32, #tpu.memory_space<hbm>>
    %dma_start3A_231 = tpu.memref_squeeze %dma_start3A_230 : memref<1x512xi32, #tpu.memory_space<hbm>> -> memref<512xi32, #tpu.memory_space<hbm>>
    %dma_start3A_232 = arith.constant 12800 : i32
    %dma_start3A_233 = tpu.memref_slice %arg5[%dma_start3A_232] : memref<13312xi32, #tpu.memory_space<vmem>> -> memref<512xi32, #tpu.memory_space<vmem>>
    %dma_start3A_234 = tpu.memref_slice %arg2[%dma_start3A_227, %mul3A_2] : memref<26x16384xi32, #tpu.memory_space<hbm>> -> memref<1x512xi32, #tpu.memory_space<hbm>>
    %dma_start3A_235 = tpu.memref_squeeze %dma_start3A_234 : memref<1x512xi32, #tpu.memory_space<hbm>> -> memref<512xi32, #tpu.memory_space<hbm>>
    tpu.enqueue_dma source(%dma_start3A_235 : memref<512xi32, #tpu.memory_space<hbm>>) target(%dma_start3A_233 : memref<512xi32, #tpu.memory_space<vmem>>) target_semaphore(%arg18 : memref<!tpu.dma_semaphore, #tpu.memory_space<semaphore_mem>>)
    %dma_wait3A = arith.constant 0 : i32
    %dma_wait3A_236 = arith.constant 0 : i32
    %dma_wait3A_237 = tpu.memref_slice %arg5[%dma_wait3A_236] : memref<13312xi32, #tpu.memory_space<vmem>> -> memref<512xi32, #tpu.memory_space<vmem>>
    %dma_wait3A_238 = arith.constant 0 : i32
    %dma_wait3A_239 = tpu.memref_slice %arg2[%dma_wait3A, %dma_wait3A_238] : memref<26x16384xi32, #tpu.memory_space<hbm>> -> memref<1x512xi32, #tpu.memory_space<hbm>>
    %dma_wait3A_240 = tpu.memref_squeeze %dma_wait3A_239 : memref<1x512xi32, #tpu.memory_space<hbm>> -> memref<512xi32, #tpu.memory_space<hbm>>
    %dma_wait3A_241 = arith.constant 0 : i32
    %dma_wait3A_242 = tpu.memref_slice %arg5[%dma_wait3A_241] : memref<13312xi32, #tpu.memory_space<vmem>> -> memref<512xi32, #tpu.memory_space<vmem>>
    %dma_wait3A_243 = arith.constant 0 : i32
    %dma_wait3A_244 = tpu.memref_slice %arg2[%dma_wait3A, %dma_wait3A_243] : memref<26x16384xi32, #tpu.memory_space<hbm>> -> memref<1x512xi32, #tpu.memory_space<hbm>>
    %dma_wait3A_245 = tpu.memref_squeeze %dma_wait3A_244 : memref<1x512xi32, #tpu.memory_space<hbm>> -> memref<512xi32, #tpu.memory_space<hbm>>
    tpu.wait_dma2 semaphore(%arg18 : memref<!tpu.dma_semaphore, #tpu.memory_space<semaphore_mem>>) src(%dma_wait3A_245 : memref<512xi32, #tpu.memory_space<hbm>>) dst(%dma_wait3A_242 : memref<512xi32, #tpu.memory_space<vmem>>)
    %dma_wait3A_246 = arith.constant 0 : i32
    %dma_wait3A_247 = arith.constant 0 : i32
    %dma_wait3A_248 = tpu.memref_slice %arg5[%dma_wait3A_247] : memref<13312xi32, #tpu.memory_space<vmem>> -> memref<512xi32, #tpu.memory_space<vmem>>
    %dma_wait3A_249 = arith.constant 0 : i32
    %dma_wait3A_250 = tpu.memref_slice %arg2[%dma_wait3A_246, %dma_wait3A_249] : memref<26x16384xi32, #tpu.memory_space<hbm>> -> memref<1x512xi32, #tpu.memory_space<hbm>>
    %dma_wait3A_251 = tpu.memref_squeeze %dma_wait3A_250 : memref<1x512xi32, #tpu.memory_space<hbm>> -> memref<512xi32, #tpu.memory_space<hbm>>
    %dma_wait3A_252 = arith.constant 0 : i32
    %dma_wait3A_253 = tpu.memref_slice %arg5[%dma_wait3A_252] : memref<13312xi32, #tpu.memory_space<vmem>> -> memref<512xi32, #tpu.memory_space<vmem>>
    %dma_wait3A_254 = arith.constant 0 : i32
    %dma_wait3A_255 = tpu.memref_slice %arg2[%dma_wait3A_246, %dma_wait3A_254] : memref<26x16384xi32, #tpu.memory_space<hbm>> -> memref<1x512xi32, #tpu.memory_space<hbm>>
    %dma_wait3A_256 = tpu.memref_squeeze %dma_wait3A_255 : memref<1x512xi32, #tpu.memory_space<hbm>> -> memref<512xi32, #tpu.memory_space<hbm>>
    tpu.wait_dma2 semaphore(%arg18 : memref<!tpu.dma_semaphore, #tpu.memory_space<semaphore_mem>>) src(%dma_wait3A_256 : memref<512xi32, #tpu.memory_space<hbm>>) dst(%dma_wait3A_253 : memref<512xi32, #tpu.memory_space<vmem>>)
    %dma_wait3A_257 = arith.constant 0 : i32
    %dma_wait3A_258 = arith.constant 0 : i32
    %dma_wait3A_259 = tpu.memref_slice %arg5[%dma_wait3A_258] : memref<13312xi32, #tpu.memory_space<vmem>> -> memref<512xi32, #tpu.memory_space<vmem>>
    %dma_wait3A_260 = arith.constant 0 : i32
    %dma_wait3A_261 = tpu.memref_slice %arg2[%dma_wait3A_257, %dma_wait3A_260] : memref<26x16384xi32, #tpu.memory_space<hbm>> -> memref<1x512xi32, #tpu.memory_space<hbm>>
    %dma_wait3A_262 = tpu.memref_squeeze %dma_wait3A_261 : memref<1x512xi32, #tpu.memory_space<hbm>> -> memref<512xi32, #tpu.memory_space<hbm>>
    %dma_wait3A_263 = arith.constant 0 : i32
    %dma_wait3A_264 = tpu.memref_slice %arg5[%dma_wait3A_263] : memref<13312xi32, #tpu.memory_space<vmem>> -> memref<512xi32, #tpu.memory_space<vmem>>
    %dma_wait3A_265 = arith.constant 0 : i32
    %dma_wait3A_266 = tpu.memref_slice %arg2[%dma_wait3A_257, %dma_wait3A_265] : memref<26x16384xi32, #tpu.memory_space<hbm>> -> memref<1x512xi32, #tpu.memory_space<hbm>>
    %dma_wait3A_267 = tpu.memref_squeeze %dma_wait3A_266 : memref<1x512xi32, #tpu.memory_space<hbm>> -> memref<512xi32, #tpu.memory_space<hbm>>
    tpu.wait_dma2 semaphore(%arg18 : memref<!tpu.dma_semaphore, #tpu.memory_space<semaphore_mem>>) src(%dma_wait3A_267 : memref<512xi32, #tpu.memory_space<hbm>>) dst(%dma_wait3A_264 : memref<512xi32, #tpu.memory_space<vmem>>)
    %dma_wait3A_268 = arith.constant 0 : i32
    %dma_wait3A_269 = arith.constant 0 : i32
    %dma_wait3A_270 = tpu.memref_slice %arg5[%dma_wait3A_269] : memref<13312xi32, #tpu.memory_space<vmem>> -> memref<512xi32, #tpu.memory_space<vmem>>
    %dma_wait3A_271 = arith.constant 0 : i32
    %dma_wait3A_272 = tpu.memref_slice %arg2[%dma_wait3A_268, %dma_wait3A_271] : memref<26x16384xi32, #tpu.memory_space<hbm>> -> memref<1x512xi32, #tpu.memory_space<hbm>>
    %dma_wait3A_273 = tpu.memref_squeeze %dma_wait3A_272 : memref<1x512xi32, #tpu.memory_space<hbm>> -> memref<512xi32, #tpu.memory_space<hbm>>
    %dma_wait3A_274 = arith.constant 0 : i32
    %dma_wait3A_275 = tpu.memref_slice %arg5[%dma_wait3A_274] : memref<13312xi32, #tpu.memory_space<vmem>> -> memref<512xi32, #tpu.memory_space<vmem>>
    %dma_wait3A_276 = arith.constant 0 : i32
    %dma_wait3A_277 = tpu.memref_slice %arg2[%dma_wait3A_268, %dma_wait3A_276] : memref<26x16384xi32, #tpu.memory_space<hbm>> -> memref<1x512xi32, #tpu.memory_space<hbm>>
    %dma_wait3A_278 = tpu.memref_squeeze %dma_wait3A_277 : memref<1x512xi32, #tpu.memory_space<hbm>> -> memref<512xi32, #tpu.memory_space<hbm>>
    tpu.wait_dma2 semaphore(%arg18 : memref<!tpu.dma_semaphore, #tpu.memory_space<semaphore_mem>>) src(%dma_wait3A_278 : memref<512xi32, #tpu.memory_space<hbm>>) dst(%dma_wait3A_275 : memref<512xi32, #tpu.memory_space<vmem>>)
    %dma_wait3A_279 = arith.constant 0 : i32
    %dma_wait3A_280 = arith.constant 0 : i32
    %dma_wait3A_281 = tpu.memref_slice %arg5[%dma_wait3A_280] : memref<13312xi32, #tpu.memory_space<vmem>> -> memref<512xi32, #tpu.memory_space<vmem>>
    %dma_wait3A_282 = arith.constant 0 : i32
    %dma_wait3A_283 = tpu.memref_slice %arg2[%dma_wait3A_279, %dma_wait3A_282] : memref<26x16384xi32, #tpu.memory_space<hbm>> -> memref<1x512xi32, #tpu.memory_space<hbm>>
    %dma_wait3A_284 = tpu.memref_squeeze %dma_wait3A_283 : memref<1x512xi32, #tpu.memory_space<hbm>> -> memref<512xi32, #tpu.memory_space<hbm>>
    %dma_wait3A_285 = arith.constant 0 : i32
    %dma_wait3A_286 = tpu.memref_slice %arg5[%dma_wait3A_285] : memref<13312xi32, #tpu.memory_space<vmem>> -> memref<512xi32, #tpu.memory_space<vmem>>
    %dma_wait3A_287 = arith.constant 0 : i32
    %dma_wait3A_288 = tpu.memref_slice %arg2[%dma_wait3A_279, %dma_wait3A_287] : memref<26x16384xi32, #tpu.memory_space<hbm>> -> memref<1x512xi32, #tpu.memory_space<hbm>>
    %dma_wait3A_289 = tpu.memref_squeeze %dma_wait3A_288 : memref<1x512xi32, #tpu.memory_space<hbm>> -> memref<512xi32, #tpu.memory_space<hbm>>
    tpu.wait_dma2 semaphore(%arg18 : memref<!tpu.dma_semaphore, #tpu.memory_space<semaphore_mem>>) src(%dma_wait3A_289 : memref<512xi32, #tpu.memory_space<hbm>>) dst(%dma_wait3A_286 : memref<512xi32, #tpu.memory_space<vmem>>)
    %dma_wait3A_290 = arith.constant 0 : i32
    %dma_wait3A_291 = arith.constant 0 : i32
    %dma_wait3A_292 = tpu.memref_slice %arg5[%dma_wait3A_291] : memref<13312xi32, #tpu.memory_space<vmem>> -> memref<512xi32, #tpu.memory_space<vmem>>
    %dma_wait3A_293 = arith.constant 0 : i32
    %dma_wait3A_294 = tpu.memref_slice %arg2[%dma_wait3A_290, %dma_wait3A_293] : memref<26x16384xi32, #tpu.memory_space<hbm>> -> memref<1x512xi32, #tpu.memory_space<hbm>>
    %dma_wait3A_295 = tpu.memref_squeeze %dma_wait3A_294 : memref<1x512xi32, #tpu.memory_space<hbm>> -> memref<512xi32, #tpu.memory_space<hbm>>
    %dma_wait3A_296 = arith.constant 0 : i32
    %dma_wait3A_297 = tpu.memref_slice %arg5[%dma_wait3A_296] : memref<13312xi32, #tpu.memory_space<vmem>> -> memref<512xi32, #tpu.memory_space<vmem>>
    %dma_wait3A_298 = arith.constant 0 : i32
    %dma_wait3A_299 = tpu.memref_slice %arg2[%dma_wait3A_290, %dma_wait3A_298] : memref<26x16384xi32, #tpu.memory_space<hbm>> -> memref<1x512xi32, #tpu.memory_space<hbm>>
    %dma_wait3A_300 = tpu.memref_squeeze %dma_wait3A_299 : memref<1x512xi32, #tpu.memory_space<hbm>> -> memref<512xi32, #tpu.memory_space<hbm>>
    tpu.wait_dma2 semaphore(%arg18 : memref<!tpu.dma_semaphore, #tpu.memory_space<semaphore_mem>>) src(%dma_wait3A_300 : memref<512xi32, #tpu.memory_space<hbm>>) dst(%dma_wait3A_297 : memref<512xi32, #tpu.memory_space<vmem>>)
    %dma_wait3A_301 = arith.constant 0 : i32
    %dma_wait3A_302 = arith.constant 0 : i32
    %dma_wait3A_303 = tpu.memref_slice %arg5[%dma_wait3A_302] : memref<13312xi32, #tpu.memory_space<vmem>> -> memref<512xi32, #tpu.memory_space<vmem>>
    %dma_wait3A_304 = arith.constant 0 : i32
    %dma_wait3A_305 = tpu.memref_slice %arg2[%dma_wait3A_301, %dma_wait3A_304] : memref<26x16384xi32, #tpu.memory_space<hbm>> -> memref<1x512xi32, #tpu.memory_space<hbm>>
    %dma_wait3A_306 = tpu.memref_squeeze %dma_wait3A_305 : memref<1x512xi32, #tpu.memory_space<hbm>> -> memref<512xi32, #tpu.memory_space<hbm>>
    %dma_wait3A_307 = arith.constant 0 : i32
    %dma_wait3A_308 = tpu.memref_slice %arg5[%dma_wait3A_307] : memref<13312xi32, #tpu.memory_space<vmem>> -> memref<512xi32, #tpu.memory_space<vmem>>
    %dma_wait3A_309 = arith.constant 0 : i32
    %dma_wait3A_310 = tpu.memref_slice %arg2[%dma_wait3A_301, %dma_wait3A_309] : memref<26x16384xi32, #tpu.memory_space<hbm>> -> memref<1x512xi32, #tpu.memory_space<hbm>>
    %dma_wait3A_311 = tpu.memref_squeeze %dma_wait3A_310 : memref<1x512xi32, #tpu.memory_space<hbm>> -> memref<512xi32, #tpu.memory_space<hbm>>
    tpu.wait_dma2 semaphore(%arg18 : memref<!tpu.dma_semaphore, #tpu.memory_space<semaphore_mem>>) src(%dma_wait3A_311 : memref<512xi32, #tpu.memory_space<hbm>>) dst(%dma_wait3A_308 : memref<512xi32, #tpu.memory_space<vmem>>)
    %dma_wait3A_312 = arith.constant 0 : i32
    %dma_wait3A_313 = arith.constant 0 : i32
    %dma_wait3A_314 = tpu.memref_slice %arg5[%dma_wait3A_313] : memref<13312xi32, #tpu.memory_space<vmem>> -> memref<512xi32, #tpu.memory_space<vmem>>
    %dma_wait3A_315 = arith.constant 0 : i32
    %dma_wait3A_316 = tpu.memref_slice %arg2[%dma_wait3A_312, %dma_wait3A_315] : memref<26x16384xi32, #tpu.memory_space<hbm>> -> memref<1x512xi32, #tpu.memory_space<hbm>>
    %dma_wait3A_317 = tpu.memref_squeeze %dma_wait3A_316 : memref<1x512xi32, #tpu.memory_space<hbm>> -> memref<512xi32, #tpu.memory_space<hbm>>
    %dma_wait3A_318 = arith.constant 0 : i32
    %dma_wait3A_319 = tpu.memref_slice %arg5[%dma_wait3A_318] : memref<13312xi32, #tpu.memory_space<vmem>> -> memref<512xi32, #tpu.memory_space<vmem>>
    %dma_wait3A_320 = arith.constant 0 : i32
    %dma_wait3A_321 = tpu.memref_slice %arg2[%dma_wait3A_312, %dma_wait3A_320] : memref<26x16384xi32, #tpu.memory_space<hbm>> -> memref<1x512xi32, #tpu.memory_space<hbm>>
    %dma_wait3A_322 = tpu.memref_squeeze %dma_wait3A_321 : memref<1x512xi32, #tpu.memory_space<hbm>> -> memref<512xi32, #tpu.memory_space<hbm>>
    tpu.wait_dma2 semaphore(%arg18 : memref<!tpu.dma_semaphore, #tpu.memory_space<semaphore_mem>>) src(%dma_wait3A_322 : memref<512xi32, #tpu.memory_space<hbm>>) dst(%dma_wait3A_319 : memref<512xi32, #tpu.memory_space<vmem>>)
    %dma_wait3A_323 = arith.constant 0 : i32
    %dma_wait3A_324 = arith.constant 0 : i32
    %dma_wait3A_325 = tpu.memref_slice %arg5[%dma_wait3A_324] : memref<13312xi32, #tpu.memory_space<vmem>> -> memref<512xi32, #tpu.memory_space<vmem>>
    %dma_wait3A_326 = arith.constant 0 : i32
    %dma_wait3A_327 = tpu.memref_slice %arg2[%dma_wait3A_323, %dma_wait3A_326] : memref<26x16384xi32, #tpu.memory_space<hbm>> -> memref<1x512xi32, #tpu.memory_space<hbm>>
    %dma_wait3A_328 = tpu.memref_squeeze %dma_wait3A_327 : memref<1x512xi32, #tpu.memory_space<hbm>> -> memref<512xi32, #tpu.memory_space<hbm>>
    %dma_wait3A_329 = arith.constant 0 : i32
    %dma_wait3A_330 = tpu.memref_slice %arg5[%dma_wait3A_329] : memref<13312xi32, #tpu.memory_space<vmem>> -> memref<512xi32, #tpu.memory_space<vmem>>
    %dma_wait3A_331 = arith.constant 0 : i32
    %dma_wait3A_332 = tpu.memref_slice %arg2[%dma_wait3A_323, %dma_wait3A_331] : memref<26x16384xi32, #tpu.memory_space<hbm>> -> memref<1x512xi32, #tpu.memory_space<hbm>>
    %dma_wait3A_333 = tpu.memref_squeeze %dma_wait3A_332 : memref<1x512xi32, #tpu.memory_space<hbm>> -> memref<512xi32, #tpu.memory_space<hbm>>
    tpu.wait_dma2 semaphore(%arg18 : memref<!tpu.dma_semaphore, #tpu.memory_space<semaphore_mem>>) src(%dma_wait3A_333 : memref<512xi32, #tpu.memory_space<hbm>>) dst(%dma_wait3A_330 : memref<512xi32, #tpu.memory_space<vmem>>)
    %dma_wait3A_334 = arith.constant 0 : i32
    %dma_wait3A_335 = arith.constant 0 : i32
    %dma_wait3A_336 = tpu.memref_slice %arg5[%dma_wait3A_335] : memref<13312xi32, #tpu.memory_space<vmem>> -> memref<512xi32, #tpu.memory_space<vmem>>
    %dma_wait3A_337 = arith.constant 0 : i32
    %dma_wait3A_338 = tpu.memref_slice %arg2[%dma_wait3A_334, %dma_wait3A_337] : memref<26x16384xi32, #tpu.memory_space<hbm>> -> memref<1x512xi32, #tpu.memory_space<hbm>>
    %dma_wait3A_339 = tpu.memref_squeeze %dma_wait3A_338 : memref<1x512xi32, #tpu.memory_space<hbm>> -> memref<512xi32, #tpu.memory_space<hbm>>
    %dma_wait3A_340 = arith.constant 0 : i32
    %dma_wait3A_341 = tpu.memref_slice %arg5[%dma_wait3A_340] : memref<13312xi32, #tpu.memory_space<vmem>> -> memref<512xi32, #tpu.memory_space<vmem>>
    %dma_wait3A_342 = arith.constant 0 : i32
    %dma_wait3A_343 = tpu.memref_slice %arg2[%dma_wait3A_334, %dma_wait3A_342] : memref<26x16384xi32, #tpu.memory_space<hbm>> -> memref<1x512xi32, #tpu.memory_space<hbm>>
    %dma_wait3A_344 = tpu.memref_squeeze %dma_wait3A_343 : memref<1x512xi32, #tpu.memory_space<hbm>> -> memref<512xi32, #tpu.memory_space<hbm>>
    tpu.wait_dma2 semaphore(%arg18 : memref<!tpu.dma_semaphore, #tpu.memory_space<semaphore_mem>>) src(%dma_wait3A_344 : memref<512xi32, #tpu.memory_space<hbm>>) dst(%dma_wait3A_341 : memref<512xi32, #tpu.memory_space<vmem>>)
    %dma_wait3A_345 = arith.constant 0 : i32
    %dma_wait3A_346 = arith.constant 0 : i32
    %dma_wait3A_347 = tpu.memref_slice %arg5[%dma_wait3A_346] : memref<13312xi32, #tpu.memory_space<vmem>> -> memref<512xi32, #tpu.memory_space<vmem>>
    %dma_wait3A_348 = arith.constant 0 : i32
    %dma_wait3A_349 = tpu.memref_slice %arg2[%dma_wait3A_345, %dma_wait3A_348] : memref<26x16384xi32, #tpu.memory_space<hbm>> -> memref<1x512xi32, #tpu.memory_space<hbm>>
    %dma_wait3A_350 = tpu.memref_squeeze %dma_wait3A_349 : memref<1x512xi32, #tpu.memory_space<hbm>> -> memref<512xi32, #tpu.memory_space<hbm>>
    %dma_wait3A_351 = arith.constant 0 : i32
    %dma_wait3A_352 = tpu.memref_slice %arg5[%dma_wait3A_351] : memref<13312xi32, #tpu.memory_space<vmem>> -> memref<512xi32, #tpu.memory_space<vmem>>
    %dma_wait3A_353 = arith.constant 0 : i32
    %dma_wait3A_354 = tpu.memref_slice %arg2[%dma_wait3A_345, %dma_wait3A_353] : memref<26x16384xi32, #tpu.memory_space<hbm>> -> memref<1x512xi32, #tpu.memory_space<hbm>>
    %dma_wait3A_355 = tpu.memref_squeeze %dma_wait3A_354 : memref<1x512xi32, #tpu.memory_space<hbm>> -> memref<512xi32, #tpu.memory_space<hbm>>
    tpu.wait_dma2 semaphore(%arg18 : memref<!tpu.dma_semaphore, #tpu.memory_space<semaphore_mem>>) src(%dma_wait3A_355 : memref<512xi32, #tpu.memory_space<hbm>>) dst(%dma_wait3A_352 : memref<512xi32, #tpu.memory_space<vmem>>)
    %dma_wait3A_356 = arith.constant 0 : i32
    %dma_wait3A_357 = arith.constant 0 : i32
    %dma_wait3A_358 = tpu.memref_slice %arg5[%dma_wait3A_357] : memref<13312xi32, #tpu.memory_space<vmem>> -> memref<512xi32, #tpu.memory_space<vmem>>
    %dma_wait3A_359 = arith.constant 0 : i32
    %dma_wait3A_360 = tpu.memref_slice %arg2[%dma_wait3A_356, %dma_wait3A_359] : memref<26x16384xi32, #tpu.memory_space<hbm>> -> memref<1x512xi32, #tpu.memory_space<hbm>>
    %dma_wait3A_361 = tpu.memref_squeeze %dma_wait3A_360 : memref<1x512xi32, #tpu.memory_space<hbm>> -> memref<512xi32, #tpu.memory_space<hbm>>
    %dma_wait3A_362 = arith.constant 0 : i32
    %dma_wait3A_363 = tpu.memref_slice %arg5[%dma_wait3A_362] : memref<13312xi32, #tpu.memory_space<vmem>> -> memref<512xi32, #tpu.memory_space<vmem>>
    %dma_wait3A_364 = arith.constant 0 : i32
    %dma_wait3A_365 = tpu.memref_slice %arg2[%dma_wait3A_356, %dma_wait3A_364] : memref<26x16384xi32, #tpu.memory_space<hbm>> -> memref<1x512xi32, #tpu.memory_space<hbm>>
    %dma_wait3A_366 = tpu.memref_squeeze %dma_wait3A_365 : memref<1x512xi32, #tpu.memory_space<hbm>> -> memref<512xi32, #tpu.memory_space<hbm>>
    tpu.wait_dma2 semaphore(%arg18 : memref<!tpu.dma_semaphore, #tpu.memory_space<semaphore_mem>>) src(%dma_wait3A_366 : memref<512xi32, #tpu.memory_space<hbm>>) dst(%dma_wait3A_363 : memref<512xi32, #tpu.memory_space<vmem>>)
    %dma_wait3A_367 = arith.constant 0 : i32
    %dma_wait3A_368 = arith.constant 0 : i32
    %dma_wait3A_369 = tpu.memref_slice %arg5[%dma_wait3A_368] : memref<13312xi32, #tpu.memory_space<vmem>> -> memref<512xi32, #tpu.memory_space<vmem>>
    %dma_wait3A_370 = arith.constant 0 : i32
    %dma_wait3A_371 = tpu.memref_slice %arg2[%dma_wait3A_367, %dma_wait3A_370] : memref<26x16384xi32, #tpu.memory_space<hbm>> -> memref<1x512xi32, #tpu.memory_space<hbm>>
    %dma_wait3A_372 = tpu.memref_squeeze %dma_wait3A_371 : memref<1x512xi32, #tpu.memory_space<hbm>> -> memref<512xi32, #tpu.memory_space<hbm>>
    %dma_wait3A_373 = arith.constant 0 : i32
    %dma_wait3A_374 = tpu.memref_slice %arg5[%dma_wait3A_373] : memref<13312xi32, #tpu.memory_space<vmem>> -> memref<512xi32, #tpu.memory_space<vmem>>
    %dma_wait3A_375 = arith.constant 0 : i32
    %dma_wait3A_376 = tpu.memref_slice %arg2[%dma_wait3A_367, %dma_wait3A_375] : memref<26x16384xi32, #tpu.memory_space<hbm>> -> memref<1x512xi32, #tpu.memory_space<hbm>>
    %dma_wait3A_377 = tpu.memref_squeeze %dma_wait3A_376 : memref<1x512xi32, #tpu.memory_space<hbm>> -> memref<512xi32, #tpu.memory_space<hbm>>
    tpu.wait_dma2 semaphore(%arg18 : memref<!tpu.dma_semaphore, #tpu.memory_space<semaphore_mem>>) src(%dma_wait3A_377 : memref<512xi32, #tpu.memory_space<hbm>>) dst(%dma_wait3A_374 : memref<512xi32, #tpu.memory_space<vmem>>)
    %dma_wait3A_378 = arith.constant 0 : i32
    %dma_wait3A_379 = arith.constant 0 : i32
    %dma_wait3A_380 = tpu.memref_slice %arg5[%dma_wait3A_379] : memref<13312xi32, #tpu.memory_space<vmem>> -> memref<512xi32, #tpu.memory_space<vmem>>
    %dma_wait3A_381 = arith.constant 0 : i32
    %dma_wait3A_382 = tpu.memref_slice %arg2[%dma_wait3A_378, %dma_wait3A_381] : memref<26x16384xi32, #tpu.memory_space<hbm>> -> memref<1x512xi32, #tpu.memory_space<hbm>>
    %dma_wait3A_383 = tpu.memref_squeeze %dma_wait3A_382 : memref<1x512xi32, #tpu.memory_space<hbm>> -> memref<512xi32, #tpu.memory_space<hbm>>
    %dma_wait3A_384 = arith.constant 0 : i32
    %dma_wait3A_385 = tpu.memref_slice %arg5[%dma_wait3A_384] : memref<13312xi32, #tpu.memory_space<vmem>> -> memref<512xi32, #tpu.memory_space<vmem>>
    %dma_wait3A_386 = arith.constant 0 : i32
    %dma_wait3A_387 = tpu.memref_slice %arg2[%dma_wait3A_378, %dma_wait3A_386] : memref<26x16384xi32, #tpu.memory_space<hbm>> -> memref<1x512xi32, #tpu.memory_space<hbm>>
    %dma_wait3A_388 = tpu.memref_squeeze %dma_wait3A_387 : memref<1x512xi32, #tpu.memory_space<hbm>> -> memref<512xi32, #tpu.memory_space<hbm>>
    tpu.wait_dma2 semaphore(%arg18 : memref<!tpu.dma_semaphore, #tpu.memory_space<semaphore_mem>>) src(%dma_wait3A_388 : memref<512xi32, #tpu.memory_space<hbm>>) dst(%dma_wait3A_385 : memref<512xi32, #tpu.memory_space<vmem>>)
    %dma_wait3A_389 = arith.constant 0 : i32
    %dma_wait3A_390 = arith.constant 0 : i32
    %dma_wait3A_391 = tpu.memref_slice %arg5[%dma_wait3A_390] : memref<13312xi32, #tpu.memory_space<vmem>> -> memref<512xi32, #tpu.memory_space<vmem>>
    %dma_wait3A_392 = arith.constant 0 : i32
    %dma_wait3A_393 = tpu.memref_slice %arg2[%dma_wait3A_389, %dma_wait3A_392] : memref<26x16384xi32, #tpu.memory_space<hbm>> -> memref<1x512xi32, #tpu.memory_space<hbm>>
    %dma_wait3A_394 = tpu.memref_squeeze %dma_wait3A_393 : memref<1x512xi32, #tpu.memory_space<hbm>> -> memref<512xi32, #tpu.memory_space<hbm>>
    %dma_wait3A_395 = arith.constant 0 : i32
    %dma_wait3A_396 = tpu.memref_slice %arg5[%dma_wait3A_395] : memref<13312xi32, #tpu.memory_space<vmem>> -> memref<512xi32, #tpu.memory_space<vmem>>
    %dma_wait3A_397 = arith.constant 0 : i32
    %dma_wait3A_398 = tpu.memref_slice %arg2[%dma_wait3A_389, %dma_wait3A_397] : memref<26x16384xi32, #tpu.memory_space<hbm>> -> memref<1x512xi32, #tpu.memory_space<hbm>>
    %dma_wait3A_399 = tpu.memref_squeeze %dma_wait3A_398 : memref<1x512xi32, #tpu.memory_space<hbm>> -> memref<512xi32, #tpu.memory_space<hbm>>
    tpu.wait_dma2 semaphore(%arg18 : memref<!tpu.dma_semaphore, #tpu.memory_space<semaphore_mem>>) src(%dma_wait3A_399 : memref<512xi32, #tpu.memory_space<hbm>>) dst(%dma_wait3A_396 : memref<512xi32, #tpu.memory_space<vmem>>)
    %dma_wait3A_400 = arith.constant 0 : i32
    %dma_wait3A_401 = arith.constant 0 : i32
    %dma_wait3A_402 = tpu.memref_slice %arg5[%dma_wait3A_401] : memref<13312xi32, #tpu.memory_space<vmem>> -> memref<512xi32, #tpu.memory_space<vmem>>
    %dma_wait3A_403 = arith.constant 0 : i32
    %dma_wait3A_404 = tpu.memref_slice %arg2[%dma_wait3A_400, %dma_wait3A_403] : memref<26x16384xi32, #tpu.memory_space<hbm>> -> memref<1x512xi32, #tpu.memory_space<hbm>>
    %dma_wait3A_405 = tpu.memref_squeeze %dma_wait3A_404 : memref<1x512xi32, #tpu.memory_space<hbm>> -> memref<512xi32, #tpu.memory_space<hbm>>
    %dma_wait3A_406 = arith.constant 0 : i32
    %dma_wait3A_407 = tpu.memref_slice %arg5[%dma_wait3A_406] : memref<13312xi32, #tpu.memory_space<vmem>> -> memref<512xi32, #tpu.memory_space<vmem>>
    %dma_wait3A_408 = arith.constant 0 : i32
    %dma_wait3A_409 = tpu.memref_slice %arg2[%dma_wait3A_400, %dma_wait3A_408] : memref<26x16384xi32, #tpu.memory_space<hbm>> -> memref<1x512xi32, #tpu.memory_space<hbm>>
    %dma_wait3A_410 = tpu.memref_squeeze %dma_wait3A_409 : memref<1x512xi32, #tpu.memory_space<hbm>> -> memref<512xi32, #tpu.memory_space<hbm>>
    tpu.wait_dma2 semaphore(%arg18 : memref<!tpu.dma_semaphore, #tpu.memory_space<semaphore_mem>>) src(%dma_wait3A_410 : memref<512xi32, #tpu.memory_space<hbm>>) dst(%dma_wait3A_407 : memref<512xi32, #tpu.memory_space<vmem>>)
    %dma_wait3A_411 = arith.constant 0 : i32
    %dma_wait3A_412 = arith.constant 0 : i32
    %dma_wait3A_413 = tpu.memref_slice %arg5[%dma_wait3A_412] : memref<13312xi32, #tpu.memory_space<vmem>> -> memref<512xi32, #tpu.memory_space<vmem>>
    %dma_wait3A_414 = arith.constant 0 : i32
    %dma_wait3A_415 = tpu.memref_slice %arg2[%dma_wait3A_411, %dma_wait3A_414] : memref<26x16384xi32, #tpu.memory_space<hbm>> -> memref<1x512xi32, #tpu.memory_space<hbm>>
    %dma_wait3A_416 = tpu.memref_squeeze %dma_wait3A_415 : memref<1x512xi32, #tpu.memory_space<hbm>> -> memref<512xi32, #tpu.memory_space<hbm>>
    %dma_wait3A_417 = arith.constant 0 : i32
    %dma_wait3A_418 = tpu.memref_slice %arg5[%dma_wait3A_417] : memref<13312xi32, #tpu.memory_space<vmem>> -> memref<512xi32, #tpu.memory_space<vmem>>
    %dma_wait3A_419 = arith.constant 0 : i32
    %dma_wait3A_420 = tpu.memref_slice %arg2[%dma_wait3A_411, %dma_wait3A_419] : memref<26x16384xi32, #tpu.memory_space<hbm>> -> memref<1x512xi32, #tpu.memory_space<hbm>>
    %dma_wait3A_421 = tpu.memref_squeeze %dma_wait3A_420 : memref<1x512xi32, #tpu.memory_space<hbm>> -> memref<512xi32, #tpu.memory_space<hbm>>
    tpu.wait_dma2 semaphore(%arg18 : memref<!tpu.dma_semaphore, #tpu.memory_space<semaphore_mem>>) src(%dma_wait3A_421 : memref<512xi32, #tpu.memory_space<hbm>>) dst(%dma_wait3A_418 : memref<512xi32, #tpu.memory_space<vmem>>)
    %dma_wait3A_422 = arith.constant 0 : i32
    %dma_wait3A_423 = arith.constant 0 : i32
    %dma_wait3A_424 = tpu.memref_slice %arg5[%dma_wait3A_423] : memref<13312xi32, #tpu.memory_space<vmem>> -> memref<512xi32, #tpu.memory_space<vmem>>
    %dma_wait3A_425 = arith.constant 0 : i32
    %dma_wait3A_426 = tpu.memref_slice %arg2[%dma_wait3A_422, %dma_wait3A_425] : memref<26x16384xi32, #tpu.memory_space<hbm>> -> memref<1x512xi32, #tpu.memory_space<hbm>>
    %dma_wait3A_427 = tpu.memref_squeeze %dma_wait3A_426 : memref<1x512xi32, #tpu.memory_space<hbm>> -> memref<512xi32, #tpu.memory_space<hbm>>
    %dma_wait3A_428 = arith.constant 0 : i32
    %dma_wait3A_429 = tpu.memref_slice %arg5[%dma_wait3A_428] : memref<13312xi32, #tpu.memory_space<vmem>> -> memref<512xi32, #tpu.memory_space<vmem>>
    %dma_wait3A_430 = arith.constant 0 : i32
    %dma_wait3A_431 = tpu.memref_slice %arg2[%dma_wait3A_422, %dma_wait3A_430] : memref<26x16384xi32, #tpu.memory_space<hbm>> -> memref<1x512xi32, #tpu.memory_space<hbm>>
    %dma_wait3A_432 = tpu.memref_squeeze %dma_wait3A_431 : memref<1x512xi32, #tpu.memory_space<hbm>> -> memref<512xi32, #tpu.memory_space<hbm>>
    tpu.wait_dma2 semaphore(%arg18 : memref<!tpu.dma_semaphore, #tpu.memory_space<semaphore_mem>>) src(%dma_wait3A_432 : memref<512xi32, #tpu.memory_space<hbm>>) dst(%dma_wait3A_429 : memref<512xi32, #tpu.memory_space<vmem>>)
    %dma_wait3A_433 = arith.constant 0 : i32
    %dma_wait3A_434 = arith.constant 0 : i32
    %dma_wait3A_435 = tpu.memref_slice %arg5[%dma_wait3A_434] : memref<13312xi32, #tpu.memory_space<vmem>> -> memref<512xi32, #tpu.memory_space<vmem>>
    %dma_wait3A_436 = arith.constant 0 : i32
    %dma_wait3A_437 = tpu.memref_slice %arg2[%dma_wait3A_433, %dma_wait3A_436] : memref<26x16384xi32, #tpu.memory_space<hbm>> -> memref<1x512xi32, #tpu.memory_space<hbm>>
    %dma_wait3A_438 = tpu.memref_squeeze %dma_wait3A_437 : memref<1x512xi32, #tpu.memory_space<hbm>> -> memref<512xi32, #tpu.memory_space<hbm>>
    %dma_wait3A_439 = arith.constant 0 : i32
    %dma_wait3A_440 = tpu.memref_slice %arg5[%dma_wait3A_439] : memref<13312xi32, #tpu.memory_space<vmem>> -> memref<512xi32, #tpu.memory_space<vmem>>
    %dma_wait3A_441 = arith.constant 0 : i32
    %dma_wait3A_442 = tpu.memref_slice %arg2[%dma_wait3A_433, %dma_wait3A_441] : memref<26x16384xi32, #tpu.memory_space<hbm>> -> memref<1x512xi32, #tpu.memory_space<hbm>>
    %dma_wait3A_443 = tpu.memref_squeeze %dma_wait3A_442 : memref<1x512xi32, #tpu.memory_space<hbm>> -> memref<512xi32, #tpu.memory_space<hbm>>
    tpu.wait_dma2 semaphore(%arg18 : memref<!tpu.dma_semaphore, #tpu.memory_space<semaphore_mem>>) src(%dma_wait3A_443 : memref<512xi32, #tpu.memory_space<hbm>>) dst(%dma_wait3A_440 : memref<512xi32, #tpu.memory_space<vmem>>)
    %dma_wait3A_444 = arith.constant 0 : i32
    %dma_wait3A_445 = arith.constant 0 : i32
    %dma_wait3A_446 = tpu.memref_slice %arg5[%dma_wait3A_445] : memref<13312xi32, #tpu.memory_space<vmem>> -> memref<512xi32, #tpu.memory_space<vmem>>
    %dma_wait3A_447 = arith.constant 0 : i32
    %dma_wait3A_448 = tpu.memref_slice %arg2[%dma_wait3A_444, %dma_wait3A_447] : memref<26x16384xi32, #tpu.memory_space<hbm>> -> memref<1x512xi32, #tpu.memory_space<hbm>>
    %dma_wait3A_449 = tpu.memref_squeeze %dma_wait3A_448 : memref<1x512xi32, #tpu.memory_space<hbm>> -> memref<512xi32, #tpu.memory_space<hbm>>
    %dma_wait3A_450 = arith.constant 0 : i32
    %dma_wait3A_451 = tpu.memref_slice %arg5[%dma_wait3A_450] : memref<13312xi32, #tpu.memory_space<vmem>> -> memref<512xi32, #tpu.memory_space<vmem>>
    %dma_wait3A_452 = arith.constant 0 : i32
    %dma_wait3A_453 = tpu.memref_slice %arg2[%dma_wait3A_444, %dma_wait3A_452] : memref<26x16384xi32, #tpu.memory_space<hbm>> -> memref<1x512xi32, #tpu.memory_space<hbm>>
    %dma_wait3A_454 = tpu.memref_squeeze %dma_wait3A_453 : memref<1x512xi32, #tpu.memory_space<hbm>> -> memref<512xi32, #tpu.memory_space<hbm>>
    tpu.wait_dma2 semaphore(%arg18 : memref<!tpu.dma_semaphore, #tpu.memory_space<semaphore_mem>>) src(%dma_wait3A_454 : memref<512xi32, #tpu.memory_space<hbm>>) dst(%dma_wait3A_451 : memref<512xi32, #tpu.memory_space<vmem>>)
    %dma_wait3A_455 = arith.constant 0 : i32
    %dma_wait3A_456 = arith.constant 0 : i32
    %dma_wait3A_457 = tpu.memref_slice %arg5[%dma_wait3A_456] : memref<13312xi32, #tpu.memory_space<vmem>> -> memref<512xi32, #tpu.memory_space<vmem>>
    %dma_wait3A_458 = arith.constant 0 : i32
    %dma_wait3A_459 = tpu.memref_slice %arg2[%dma_wait3A_455, %dma_wait3A_458] : memref<26x16384xi32, #tpu.memory_space<hbm>> -> memref<1x512xi32, #tpu.memory_space<hbm>>
    %dma_wait3A_460 = tpu.memref_squeeze %dma_wait3A_459 : memref<1x512xi32, #tpu.memory_space<hbm>> -> memref<512xi32, #tpu.memory_space<hbm>>
    %dma_wait3A_461 = arith.constant 0 : i32
    %dma_wait3A_462 = tpu.memref_slice %arg5[%dma_wait3A_461] : memref<13312xi32, #tpu.memory_space<vmem>> -> memref<512xi32, #tpu.memory_space<vmem>>
    %dma_wait3A_463 = arith.constant 0 : i32
    %dma_wait3A_464 = tpu.memref_slice %arg2[%dma_wait3A_455, %dma_wait3A_463] : memref<26x16384xi32, #tpu.memory_space<hbm>> -> memref<1x512xi32, #tpu.memory_space<hbm>>
    %dma_wait3A_465 = tpu.memref_squeeze %dma_wait3A_464 : memref<1x512xi32, #tpu.memory_space<hbm>> -> memref<512xi32, #tpu.memory_space<hbm>>
    tpu.wait_dma2 semaphore(%arg18 : memref<!tpu.dma_semaphore, #tpu.memory_space<semaphore_mem>>) src(%dma_wait3A_465 : memref<512xi32, #tpu.memory_space<hbm>>) dst(%dma_wait3A_462 : memref<512xi32, #tpu.memory_space<vmem>>)
    %dma_wait3A_466 = arith.constant 0 : i32
    %dma_wait3A_467 = arith.constant 0 : i32
    %dma_wait3A_468 = tpu.memref_slice %arg5[%dma_wait3A_467] : memref<13312xi32, #tpu.memory_space<vmem>> -> memref<512xi32, #tpu.memory_space<vmem>>
    %dma_wait3A_469 = arith.constant 0 : i32
    %dma_wait3A_470 = tpu.memref_slice %arg2[%dma_wait3A_466, %dma_wait3A_469] : memref<26x16384xi32, #tpu.memory_space<hbm>> -> memref<1x512xi32, #tpu.memory_space<hbm>>
    %dma_wait3A_471 = tpu.memref_squeeze %dma_wait3A_470 : memref<1x512xi32, #tpu.memory_space<hbm>> -> memref<512xi32, #tpu.memory_space<hbm>>
    %dma_wait3A_472 = arith.constant 0 : i32
    %dma_wait3A_473 = tpu.memref_slice %arg5[%dma_wait3A_472] : memref<13312xi32, #tpu.memory_space<vmem>> -> memref<512xi32, #tpu.memory_space<vmem>>
    %dma_wait3A_474 = arith.constant 0 : i32
    %dma_wait3A_475 = tpu.memref_slice %arg2[%dma_wait3A_466, %dma_wait3A_474] : memref<26x16384xi32, #tpu.memory_space<hbm>> -> memref<1x512xi32, #tpu.memory_space<hbm>>
    %dma_wait3A_476 = tpu.memref_squeeze %dma_wait3A_475 : memref<1x512xi32, #tpu.memory_space<hbm>> -> memref<512xi32, #tpu.memory_space<hbm>>
    tpu.wait_dma2 semaphore(%arg18 : memref<!tpu.dma_semaphore, #tpu.memory_space<semaphore_mem>>) src(%dma_wait3A_476 : memref<512xi32, #tpu.memory_space<hbm>>) dst(%dma_wait3A_473 : memref<512xi32, #tpu.memory_space<vmem>>)
    %dma_wait3A_477 = arith.constant 0 : i32
    %dma_wait3A_478 = arith.constant 0 : i32
    %dma_wait3A_479 = tpu.memref_slice %arg5[%dma_wait3A_478] : memref<13312xi32, #tpu.memory_space<vmem>> -> memref<512xi32, #tpu.memory_space<vmem>>
    %dma_wait3A_480 = arith.constant 0 : i32
    %dma_wait3A_481 = tpu.memref_slice %arg2[%dma_wait3A_477, %dma_wait3A_480] : memref<26x16384xi32, #tpu.memory_space<hbm>> -> memref<1x512xi32, #tpu.memory_space<hbm>>
    %dma_wait3A_482 = tpu.memref_squeeze %dma_wait3A_481 : memref<1x512xi32, #tpu.memory_space<hbm>> -> memref<512xi32, #tpu.memory_space<hbm>>
    %dma_wait3A_483 = arith.constant 0 : i32
    %dma_wait3A_484 = tpu.memref_slice %arg5[%dma_wait3A_483] : memref<13312xi32, #tpu.memory_space<vmem>> -> memref<512xi32, #tpu.memory_space<vmem>>
    %dma_wait3A_485 = arith.constant 0 : i32
    %dma_wait3A_486 = tpu.memref_slice %arg2[%dma_wait3A_477, %dma_wait3A_485] : memref<26x16384xi32, #tpu.memory_space<hbm>> -> memref<1x512xi32, #tpu.memory_space<hbm>>
    %dma_wait3A_487 = tpu.memref_squeeze %dma_wait3A_486 : memref<1x512xi32, #tpu.memory_space<hbm>> -> memref<512xi32, #tpu.memory_space<hbm>>
    tpu.wait_dma2 semaphore(%arg18 : memref<!tpu.dma_semaphore, #tpu.memory_space<semaphore_mem>>) src(%dma_wait3A_487 : memref<512xi32, #tpu.memory_space<hbm>>) dst(%dma_wait3A_484 : memref<512xi32, #tpu.memory_space<vmem>>)
    %dma_wait3A_488 = arith.constant 0 : i32
    %dma_wait3A_489 = arith.constant 0 : i32
    %dma_wait3A_490 = tpu.memref_slice %arg5[%dma_wait3A_489] : memref<13312xi32, #tpu.memory_space<vmem>> -> memref<512xi32, #tpu.memory_space<vmem>>
    %dma_wait3A_491 = arith.constant 0 : i32
    %dma_wait3A_492 = tpu.memref_slice %arg2[%dma_wait3A_488, %dma_wait3A_491] : memref<26x16384xi32, #tpu.memory_space<hbm>> -> memref<1x512xi32, #tpu.memory_space<hbm>>
    %dma_wait3A_493 = tpu.memref_squeeze %dma_wait3A_492 : memref<1x512xi32, #tpu.memory_space<hbm>> -> memref<512xi32, #tpu.memory_space<hbm>>
    %dma_wait3A_494 = arith.constant 0 : i32
    %dma_wait3A_495 = tpu.memref_slice %arg5[%dma_wait3A_494] : memref<13312xi32, #tpu.memory_space<vmem>> -> memref<512xi32, #tpu.memory_space<vmem>>
    %dma_wait3A_496 = arith.constant 0 : i32
    %dma_wait3A_497 = tpu.memref_slice %arg2[%dma_wait3A_488, %dma_wait3A_496] : memref<26x16384xi32, #tpu.memory_space<hbm>> -> memref<1x512xi32, #tpu.memory_space<hbm>>
    %dma_wait3A_498 = tpu.memref_squeeze %dma_wait3A_497 : memref<1x512xi32, #tpu.memory_space<hbm>> -> memref<512xi32, #tpu.memory_space<hbm>>
    tpu.wait_dma2 semaphore(%arg18 : memref<!tpu.dma_semaphore, #tpu.memory_space<semaphore_mem>>) src(%dma_wait3A_498 : memref<512xi32, #tpu.memory_space<hbm>>) dst(%dma_wait3A_495 : memref<512xi32, #tpu.memory_space<vmem>>)
    %dma_wait3A_499 = arith.constant 0 : i32
    %dma_wait3A_500 = arith.constant 0 : i32
    %dma_wait3A_501 = tpu.memref_slice %arg5[%dma_wait3A_500] : memref<13312xi32, #tpu.memory_space<vmem>> -> memref<512xi32, #tpu.memory_space<vmem>>
    %dma_wait3A_502 = arith.constant 0 : i32
    %dma_wait3A_503 = tpu.memref_slice %arg2[%dma_wait3A_499, %dma_wait3A_502] : memref<26x16384xi32, #tpu.memory_space<hbm>> -> memref<1x512xi32, #tpu.memory_space<hbm>>
    %dma_wait3A_504 = tpu.memref_squeeze %dma_wait3A_503 : memref<1x512xi32, #tpu.memory_space<hbm>> -> memref<512xi32, #tpu.memory_space<hbm>>
    %dma_wait3A_505 = arith.constant 0 : i32
    %dma_wait3A_506 = tpu.memref_slice %arg5[%dma_wait3A_505] : memref<13312xi32, #tpu.memory_space<vmem>> -> memref<512xi32, #tpu.memory_space<vmem>>
    %dma_wait3A_507 = arith.constant 0 : i32
    %dma_wait3A_508 = tpu.memref_slice %arg2[%dma_wait3A_499, %dma_wait3A_507] : memref<26x16384xi32, #tpu.memory_space<hbm>> -> memref<1x512xi32, #tpu.memory_space<hbm>>
    %dma_wait3A_509 = tpu.memref_squeeze %dma_wait3A_508 : memref<1x512xi32, #tpu.memory_space<hbm>> -> memref<512xi32, #tpu.memory_space<hbm>>
    tpu.wait_dma2 semaphore(%arg18 : memref<!tpu.dma_semaphore, #tpu.memory_space<semaphore_mem>>) src(%dma_wait3A_509 : memref<512xi32, #tpu.memory_space<hbm>>) dst(%dma_wait3A_506 : memref<512xi32, #tpu.memory_space<vmem>>)
    %dma_wait3A_510 = arith.constant 0 : i32
    %dma_wait3A_511 = arith.constant 0 : i32
    %dma_wait3A_512 = tpu.memref_slice %arg5[%dma_wait3A_511] : memref<13312xi32, #tpu.memory_space<vmem>> -> memref<512xi32, #tpu.memory_space<vmem>>
    %dma_wait3A_513 = arith.constant 0 : i32
    %dma_wait3A_514 = tpu.memref_slice %arg2[%dma_wait3A_510, %dma_wait3A_513] : memref<26x16384xi32, #tpu.memory_space<hbm>> -> memref<1x512xi32, #tpu.memory_space<hbm>>
    %dma_wait3A_515 = tpu.memref_squeeze %dma_wait3A_514 : memref<1x512xi32, #tpu.memory_space<hbm>> -> memref<512xi32, #tpu.memory_space<hbm>>
    %dma_wait3A_516 = arith.constant 0 : i32
    %dma_wait3A_517 = tpu.memref_slice %arg5[%dma_wait3A_516] : memref<13312xi32, #tpu.memory_space<vmem>> -> memref<512xi32, #tpu.memory_space<vmem>>
    %dma_wait3A_518 = arith.constant 0 : i32
    %dma_wait3A_519 = tpu.memref_slice %arg2[%dma_wait3A_510, %dma_wait3A_518] : memref<26x16384xi32, #tpu.memory_space<hbm>> -> memref<1x512xi32, #tpu.memory_space<hbm>>
    %dma_wait3A_520 = tpu.memref_squeeze %dma_wait3A_519 : memref<1x512xi32, #tpu.memory_space<hbm>> -> memref<512xi32, #tpu.memory_space<hbm>>
    tpu.wait_dma2 semaphore(%arg18 : memref<!tpu.dma_semaphore, #tpu.memory_space<semaphore_mem>>) src(%dma_wait3A_520 : memref<512xi32, #tpu.memory_space<hbm>>) dst(%dma_wait3A_517 : memref<512xi32, #tpu.memory_space<vmem>>)
    %dma_start3A_521 = arith.constant 0 : i32
    %dma_start3A_522 = tpu.memref_slice %arg5[%dma_start3A_521] : memref<13312xi32, #tpu.memory_space<vmem>> -> memref<128xi32, #tpu.memory_space<vmem>>
    %dma_start3A_523 = arith.constant 0 : i32
    %dma_start3A_524 = arith.constant 0 : i32
    %dma_start3A_525 = tpu.memref_slice %arg3[%dma_start3A_523, %dma_start3A_524] : memref<1000000x128xf32, #tpu.memory_space<hbm>> -> memref<1000000x128xf32, #tpu.memory_space<hbm>>
    tpu.enqueue_indirect_dma source(%dma_start3A_525 : memref<1000000x128xf32, #tpu.memory_space<hbm>>) target(%arg6 : memref<128x128xf32, #tpu.memory_space<vmem>>) offsets(%dma_start3A_522 : memref<128xi32, #tpu.memory_space<vmem>>) semaphore(%arg12 : memref<!tpu.dma_semaphore, #tpu.memory_space<semaphore_mem>>)
    %dma_start3A_526 = arith.constant 128 : i32
    %dma_start3A_527 = tpu.memref_slice %arg5[%dma_start3A_526] : memref<13312xi32, #tpu.memory_space<vmem>> -> memref<128xi32, #tpu.memory_space<vmem>>
    %dma_start3A_528 = arith.constant 0 : i32
    %dma_start3A_529 = arith.constant 0 : i32
    %dma_start3A_530 = tpu.memref_slice %arg3[%dma_start3A_528, %dma_start3A_529] : memref<1000000x128xf32, #tpu.memory_space<hbm>> -> memref<1000000x128xf32, #tpu.memory_space<hbm>>
    tpu.enqueue_indirect_dma source(%dma_start3A_530 : memref<1000000x128xf32, #tpu.memory_space<hbm>>) target(%arg7 : memref<128x128xf32, #tpu.memory_space<vmem>>) offsets(%dma_start3A_527 : memref<128xi32, #tpu.memory_space<vmem>>) semaphore(%arg13 : memref<!tpu.dma_semaphore, #tpu.memory_space<semaphore_mem>>)
    %dma_start3A_531 = arith.constant 256 : i32
    %dma_start3A_532 = tpu.memref_slice %arg5[%dma_start3A_531] : memref<13312xi32, #tpu.memory_space<vmem>> -> memref<128xi32, #tpu.memory_space<vmem>>
    %dma_start3A_533 = arith.constant 0 : i32
    %dma_start3A_534 = arith.constant 0 : i32
    %dma_start3A_535 = tpu.memref_slice %arg3[%dma_start3A_533, %dma_start3A_534] : memref<1000000x128xf32, #tpu.memory_space<hbm>> -> memref<1000000x128xf32, #tpu.memory_space<hbm>>
    tpu.enqueue_indirect_dma source(%dma_start3A_535 : memref<1000000x128xf32, #tpu.memory_space<hbm>>) target(%arg8 : memref<128x128xf32, #tpu.memory_space<vmem>>) offsets(%dma_start3A_532 : memref<128xi32, #tpu.memory_space<vmem>>) semaphore(%arg14 : memref<!tpu.dma_semaphore, #tpu.memory_space<semaphore_mem>>)
    %scan3A = arith.constant 0 : i32
    %scan3A_536 = arith.constant 26 : i32
    %scan3A_537 = arith.addi %scan3A, %scan3A_536 : i32
    %scan3A_538 = arith.constant 1 : i32
    scf.for %scan3A_558 = %scan3A to %scan3A_537 step %scan3A_538  : i32 {
      %mul3A_559 = arith.constant 4 : i32
      %mul3A_560 = arith.muli %scan3A_558, %mul3A_559 : i32
      %add3A_561 = arith.constant 0 : i32
      %add3A_562 = arith.addi %add3A_561, %mul3A_560 : i32
      %add3A_563 = arith.constant 0 : i32
      %add3A_564 = arith.addi %add3A_562, %add3A_563 : i32
      %dma_wait3A_565 = arith.constant 0 : i32
      %dma_wait3A_566 = arith.constant 0 : i32
      %dma_wait3A_567 = tpu.memref_slice %arg3[%dma_wait3A_565, %dma_wait3A_566] : memref<1000000x128xf32, #tpu.memory_space<hbm>> -> memref<128x128xf32, #tpu.memory_space<hbm>>
      %dma_wait3A_568 = arith.constant 0 : i32
      %dma_wait3A_569 = arith.constant 0 : i32
      %dma_wait3A_570 = tpu.memref_slice %arg3[%dma_wait3A_568, %dma_wait3A_569] : memref<1000000x128xf32, #tpu.memory_space<hbm>> -> memref<128x128xf32, #tpu.memory_space<hbm>>
      tpu.wait_dma2 semaphore(%arg12 : memref<!tpu.dma_semaphore, #tpu.memory_space<semaphore_mem>>) src(%dma_wait3A_570 : memref<128x128xf32, #tpu.memory_space<hbm>>) dst(%arg6 : memref<128x128xf32, #tpu.memory_space<vmem>>)
      %add3A_571 = arith.constant 4 : i32
      %add3A_572 = arith.addi %add3A_564, %add3A_571 : i32
      %sub3A = arith.constant 1 : i32
      %sub3A_573 = arith.subi %add3A_572, %sub3A : i32
      %lt3A = arith.constant 104 : i32
      %lt3A_574 = arith.cmpi slt, %sub3A_573, %lt3A : i32
      %convert_element_type3A = arith.extui %lt3A_574 : i1 to i32
      %cond3A = arith.constant 0 : i32
      %cond3A_575 = arith.cmpi ne, %convert_element_type3A, %cond3A : i32
      scf.if %cond3A_575 {
        %add3A_845 = arith.constant 4 : i32
        %add3A_846 = arith.addi %add3A_564, %add3A_845 : i32
        %sub3A_847 = arith.constant 1 : i32
        %sub3A_848 = arith.subi %add3A_846, %sub3A_847 : i32
        %jit3A_849 = arith.constant 4 : i32
        %div3A_850 = arith.divsi %sub3A_848, %jit3A_849 : i32
        %sign3A_851 = arith.constant 0 : i32
        %sign3A_852 = arith.cmpi sgt, %sub3A_848, %sign3A_851 : i32
        %sign3A_853 = arith.extui %sign3A_852 : i1 to i32
        %sign3A_854 = arith.constant 0 : i32
        %sign3A_855 = arith.cmpi slt, %sub3A_848, %sign3A_854 : i32
        %sign3A_856 = arith.extui %sign3A_855 : i1 to i32
        %sign3A_857 = arith.subi %sign3A_853, %sign3A_856 : i32
        %sign3A_858 = arith.constant 0 : i32
        %sign3A_859 = arith.cmpi sgt, %jit3A_849, %sign3A_858 : i32
        %sign3A_860 = arith.extui %sign3A_859 : i1 to i32
        %sign3A_861 = arith.constant 0 : i32
        %sign3A_862 = arith.cmpi slt, %jit3A_849, %sign3A_861 : i32
        %sign3A_863 = arith.extui %sign3A_862 : i1 to i32
        %sign3A_864 = arith.subi %sign3A_860, %sign3A_863 : i32
        %ne3A_865 = arith.cmpi ne, %sign3A_857, %sign3A_864 : i32
        %rem3A_866 = arith.remsi %sub3A_848, %jit3A_849 : i32
        %ne3A_867 = arith.constant 0 : i32
        %ne3A_868 = arith.cmpi ne, %rem3A_866, %ne3A_867 : i32
        %and3A_869 = arith.andi %ne3A_865, %ne3A_868 : i1
        %sub3A_870 = arith.constant 1 : i32
        %sub3A_871 = arith.subi %div3A_850, %sub3A_870 : i32
        %select_n3A_872 = arith.select %and3A_869, %sub3A_871, %div3A_850 : i32
        %mul3A_873 = arith.constant 512 : i32
        %mul3A_874 = arith.muli %select_n3A_872, %mul3A_873 : i32
        %jit3A_875 = arith.constant 4 : i32
        %eq3A_876 = arith.constant 0 : i32
        %eq3A_877 = arith.cmpi eq, %jit3A_875, %eq3A_876 : i32
        %jit3A_878 = arith.constant 1 : i32
        %select_n3A_879 = arith.select %eq3A_877, %jit3A_878, %jit3A_875 : i32
        %rem3A_880 = arith.remsi %sub3A_848, %select_n3A_879 : i32
        %ne3A_881 = arith.constant 0 : i32
        %ne3A_882 = arith.cmpi ne, %rem3A_880, %ne3A_881 : i32
        %lt3A_883 = arith.constant 0 : i32
        %lt3A_884 = arith.cmpi slt, %rem3A_880, %lt3A_883 : i32
        %lt3A_885 = arith.constant 0 : i32
        %lt3A_886 = arith.cmpi slt, %select_n3A_879, %lt3A_885 : i32
        %ne3A_887 = arith.xori %lt3A_884, %lt3A_886 : i1
        %and3A_888 = arith.andi %ne3A_887, %ne3A_882 : i1
        %add3A_889 = arith.addi %rem3A_880, %select_n3A_879 : i32
        %select_n3A_890 = arith.select %and3A_888, %add3A_889, %rem3A_880 : i32
        %mul3A_891 = arith.constant 128 : i32
        %mul3A_892 = arith.muli %select_n3A_890, %mul3A_891 : i32
        %add3A_893 = arith.addi %mul3A_874, %mul3A_892 : i32
        %dma_start3A_894 = tpu.memref_slice %arg5[%add3A_893] : memref<13312xi32, #tpu.memory_space<vmem>> -> memref<128xi32, #tpu.memory_space<vmem>>
        %dma_start3A_895 = arith.constant 0 : i32
        %dma_start3A_896 = arith.constant 0 : i32
        %dma_start3A_897 = tpu.memref_slice %arg3[%dma_start3A_895, %dma_start3A_896] : memref<1000000x128xf32, #tpu.memory_space<hbm>> -> memref<1000000x128xf32, #tpu.memory_space<hbm>>
        tpu.enqueue_indirect_dma source(%dma_start3A_897 : memref<1000000x128xf32, #tpu.memory_space<hbm>>) target(%arg9 : memref<128x128xf32, #tpu.memory_space<vmem>>) offsets(%dma_start3A_894 : memref<128xi32, #tpu.memory_space<vmem>>) semaphore(%arg15 : memref<!tpu.dma_semaphore, #tpu.memory_space<semaphore_mem>>)
      } else {
      }
      %ge3A = arith.constant 2 : i32
      %ge3A_576 = arith.cmpi sge, %add3A_564, %ge3A : i32
      %convert_element_type3A_577 = arith.extui %ge3A_576 : i1 to i32
      %cond3A_578 = arith.constant 0 : i32
      %cond3A_579 = arith.cmpi ne, %convert_element_type3A_577, %cond3A_578 : i32
      scf.if %cond3A_579 {
        %dma_wait3A_845 = arith.constant 0 : i32
        %dma_wait3A_846 = arith.constant 0 : i32
        %dma_wait3A_847 = arith.constant 0 : i32
        %dma_wait3A_848 = tpu.memref_slice %arg4[%dma_wait3A_845, %dma_wait3A_846, %dma_wait3A_847] : memref<26x16384x64xf32, #tpu.memory_space<hbm>> -> memref<1x128x64xf32, #tpu.memory_space<hbm>>
        %dma_wait3A_849 = tpu.memref_squeeze %dma_wait3A_848 : memref<1x128x64xf32, #tpu.memory_space<hbm>> -> memref<128x64xf32, #tpu.memory_space<hbm>>
        %dma_wait3A_850 = arith.constant 0 : i32
        %dma_wait3A_851 = arith.constant 0 : i32
        %dma_wait3A_852 = tpu.memref_slice %arg4[%dma_wait3A_845, %dma_wait3A_850, %dma_wait3A_851] : memref<26x16384x64xf32, #tpu.memory_space<hbm>> -> memref<1x128x64xf32, #tpu.memory_space<hbm>>
        %dma_wait3A_853 = tpu.memref_squeeze %dma_wait3A_852 : memref<1x128x64xf32, #tpu.memory_space<hbm>> -> memref<128x64xf32, #tpu.memory_space<hbm>>
        tpu.wait_dma2 semaphore(%arg16 : memref<!tpu.dma_semaphore, #tpu.memory_space<semaphore_mem>>) src(%arg10 : memref<128x64xf32, #tpu.memory_space<vmem>>) dst(%dma_wait3A_853 : memref<128x64xf32, #tpu.memory_space<hbm>>)
      } else {
      }
      %parallel_loop3A = arith.constant 0 : i32
      %parallel_loop3A_580 = arith.constant 128 : i32
      %parallel_loop3A_581 = arith.constant 1 : i32
      scf.for %parallel_loop3A_845 = %parallel_loop3A to %parallel_loop3A_580 step %parallel_loop3A_581  : i32 {
        %parallel_loop3A_846 = arith.index_cast %parallel_loop3A_845 : i32 to index
        %parallel_loop3A_847 = arith.constant 0 : index
        %parallel_loop3A_848 = tpu.vector_load %arg6[%parallel_loop3A_846, %parallel_loop3A_847] {strides = array<i32>} : memref<128x128xf32, #tpu.memory_space<vmem>>, vector<16xf32>,
        %parallel_loop3A_849 = arith.index_cast %parallel_loop3A_845 : i32 to index
        %parallel_loop3A_850 = arith.constant 0 : index
        %parallel_loop3A_851 = tpu.vector_load %arg10[%parallel_loop3A_849, %parallel_loop3A_850] {strides = array<i32>} : memref<128x64xf32, #tpu.memory_space<vmem>>, vector<16xf32>,
        tpu.vector_store %arg10[%parallel_loop3A_849, %parallel_loop3A_850], %parallel_loop3A_848 {strides = array<i32>} : memref<128x64xf32, #tpu.memory_space<vmem>>, vector<16xf32>,
        %parallel_loop3A_852 = arith.index_cast %parallel_loop3A_845 : i32 to index
        %parallel_loop3A_853 = arith.constant 16 : index
        %parallel_loop3A_854 = tpu.vector_load %arg6[%parallel_loop3A_852, %parallel_loop3A_853] {strides = array<i32>} : memref<128x128xf32, #tpu.memory_space<vmem>>, vector<16xf32>,
        %parallel_loop3A_855 = arith.index_cast %parallel_loop3A_845 : i32 to index
        %parallel_loop3A_856 = arith.constant 16 : index
        %parallel_loop3A_857 = tpu.vector_load %arg10[%parallel_loop3A_855, %parallel_loop3A_856] {strides = array<i32>} : memref<128x64xf32, #tpu.memory_space<vmem>>, vector<16xf32>,
        tpu.vector_store %arg10[%parallel_loop3A_855, %parallel_loop3A_856], %parallel_loop3A_854 {strides = array<i32>} : memref<128x64xf32, #tpu.memory_space<vmem>>, vector<16xf32>,
        %parallel_loop3A_858 = arith.index_cast %parallel_loop3A_845 : i32 to index
        %parallel_loop3A_859 = arith.constant 32 : index
        %parallel_loop3A_860 = tpu.vector_load %arg6[%parallel_loop3A_858, %parallel_loop3A_859] {strides = array<i32>} : memref<128x128xf32, #tpu.memory_space<vmem>>, vector<16xf32>,
        %parallel_loop3A_861 = arith.index_cast %parallel_loop3A_845 : i32 to index
        %parallel_loop3A_862 = arith.constant 32 : index
        %parallel_loop3A_863 = tpu.vector_load %arg10[%parallel_loop3A_861, %parallel_loop3A_862] {strides = array<i32>} : memref<128x64xf32, #tpu.memory_space<vmem>>, vector<16xf32>,
        tpu.vector_store %arg10[%parallel_loop3A_861, %parallel_loop3A_862], %parallel_loop3A_860 {strides = array<i32>} : memref<128x64xf32, #tpu.memory_space<vmem>>, vector<16xf32>,
        %parallel_loop3A_864 = arith.index_cast %parallel_loop3A_845 : i32 to index
        %parallel_loop3A_865 = arith.constant 48 : index
        %parallel_loop3A_866 = tpu.vector_load %arg6[%parallel_loop3A_864, %parallel_loop3A_865] {strides = array<i32>} : memref<128x128xf32, #tpu.memory_space<vmem>>, vector<16xf32>,
        %parallel_loop3A_867 = arith.index_cast %parallel_loop3A_845 : i32 to index
        %parallel_loop3A_868 = arith.constant 48 : index
        %parallel_loop3A_869 = tpu.vector_load %arg10[%parallel_loop3A_867, %parallel_loop3A_868] {strides = array<i32>} : memref<128x64xf32, #tpu.memory_space<vmem>>, vector<16xf32>,
        tpu.vector_store %arg10[%parallel_loop3A_867, %parallel_loop3A_868], %parallel_loop3A_866 {strides = array<i32>} : memref<128x64xf32, #tpu.memory_space<vmem>>, vector<16xf32>,
      } {sc.loop_unroll_factor = 4 : i64, sc.parallel_access}
      %jit3A = arith.constant 4 : i32
      %div3A = arith.divsi %add3A_564, %jit3A : i32
      %sign3A = arith.constant 0 : i32
      %sign3A_582 = arith.cmpi sgt, %add3A_564, %sign3A : i32
      %sign3A_583 = arith.extui %sign3A_582 : i1 to i32
      %sign3A_584 = arith.constant 0 : i32
      %sign3A_585 = arith.cmpi slt, %add3A_564, %sign3A_584 : i32
      %sign3A_586 = arith.extui %sign3A_585 : i1 to i32
      %sign3A_587 = arith.subi %sign3A_583, %sign3A_586 : i32
      %sign3A_588 = arith.constant 0 : i32
      %sign3A_589 = arith.cmpi sgt, %jit3A, %sign3A_588 : i32
      %sign3A_590 = arith.extui %sign3A_589 : i1 to i32
      %sign3A_591 = arith.constant 0 : i32
      %sign3A_592 = arith.cmpi slt, %jit3A, %sign3A_591 : i32
      %sign3A_593 = arith.extui %sign3A_592 : i1 to i32
      %sign3A_594 = arith.subi %sign3A_590, %sign3A_593 : i32
      %ne3A = arith.cmpi ne, %sign3A_587, %sign3A_594 : i32
      %rem3A = arith.remsi %add3A_564, %jit3A : i32
      %ne3A_595 = arith.constant 0 : i32
      %ne3A_596 = arith.cmpi ne, %rem3A, %ne3A_595 : i32
      %and3A = arith.andi %ne3A, %ne3A_596 : i1
      %sub3A_597 = arith.constant 1 : i32
      %sub3A_598 = arith.subi %div3A, %sub3A_597 : i32
      %select_n3A = arith.select %and3A, %sub3A_598, %div3A : i32
      %jit3A_599 = arith.constant 4 : i32
      %eq3A = arith.constant 0 : i32
      %eq3A_600 = arith.cmpi eq, %jit3A_599, %eq3A : i32
      %jit3A_601 = arith.constant 1 : i32
      %select_n3A_602 = arith.select %eq3A_600, %jit3A_601, %jit3A_599 : i32
      %rem3A_603 = arith.remsi %add3A_564, %select_n3A_602 : i32
      %ne3A_604 = arith.constant 0 : i32
      %ne3A_605 = arith.cmpi ne, %rem3A_603, %ne3A_604 : i32
      %lt3A_606 = arith.constant 0 : i32
      %lt3A_607 = arith.cmpi slt, %rem3A_603, %lt3A_606 : i32
      %lt3A_608 = arith.constant 0 : i32
      %lt3A_609 = arith.cmpi slt, %select_n3A_602, %lt3A_608 : i32
      %ne3A_610 = arith.xori %lt3A_607, %lt3A_609 : i1
      %and3A_611 = arith.andi %ne3A_610, %ne3A_605 : i1
      %add3A_612 = arith.addi %rem3A_603, %select_n3A_602 : i32
      %select_n3A_613 = arith.select %and3A_611, %add3A_612, %rem3A_603 : i32
      %mul3A_614 = arith.constant 128 : i32
      %mul3A_615 = arith.muli %select_n3A_613, %mul3A_614 : i32
      %add3A_616 = arith.addi %mul3A_2, %mul3A_615 : i32
      %dma_start3A_617 = arith.constant 0 : i32
      %dma_start3A_618 = tpu.memref_slice %arg4[%select_n3A, %add3A_616, %dma_start3A_617] : memref<26x16384x64xf32, #tpu.memory_space<hbm>> -> memref<1x128x64xf32, #tpu.memory_space<hbm>>
      %dma_start3A_619 = tpu.memref_squeeze %dma_start3A_618 : memref<1x128x64xf32, #tpu.memory_space<hbm>> -> memref<128x64xf32, #tpu.memory_space<hbm>>
      %dma_start3A_620 = arith.constant 0 : i32
      %dma_start3A_621 = tpu.memref_slice %arg4[%select_n3A, %add3A_616, %dma_start3A_620] : memref<26x16384x64xf32, #tpu.memory_space<hbm>> -> memref<1x128x64xf32, #tpu.memory_space<hbm>>
      %dma_start3A_622 = tpu.memref_squeeze %dma_start3A_621 : memref<1x128x64xf32, #tpu.memory_space<hbm>> -> memref<128x64xf32, #tpu.memory_space<hbm>>
      tpu.enqueue_dma source(%arg10 : memref<128x64xf32, #tpu.memory_space<vmem>>) target(%dma_start3A_622 : memref<128x64xf32, #tpu.memory_space<hbm>>) target_semaphore(%arg16 : memref<!tpu.dma_semaphore, #tpu.memory_space<semaphore_mem>>)
      %add3A_623 = arith.constant 1 : i32
      %add3A_624 = arith.addi %add3A_562, %add3A_623 : i32
      %dma_wait3A_625 = arith.constant 0 : i32
      %dma_wait3A_626 = arith.constant 0 : i32
      %dma_wait3A_627 = tpu.memref_slice %arg3[%dma_wait3A_625, %dma_wait3A_626] : memref<1000000x128xf32, #tpu.memory_space<hbm>> -> memref<128x128xf32, #tpu.memory_space<hbm>>
      %dma_wait3A_628 = arith.constant 0 : i32
      %dma_wait3A_629 = arith.constant 0 : i32
      %dma_wait3A_630 = tpu.memref_slice %arg3[%dma_wait3A_628, %dma_wait3A_629] : memref<1000000x128xf32, #tpu.memory_space<hbm>> -> memref<128x128xf32, #tpu.memory_space<hbm>>
      tpu.wait_dma2 semaphore(%arg13 : memref<!tpu.dma_semaphore, #tpu.memory_space<semaphore_mem>>) src(%dma_wait3A_630 : memref<128x128xf32, #tpu.memory_space<hbm>>) dst(%arg7 : memref<128x128xf32, #tpu.memory_space<vmem>>)
      %add3A_631 = arith.constant 4 : i32
      %add3A_632 = arith.addi %add3A_624, %add3A_631 : i32
      %sub3A_633 = arith.constant 1 : i32
      %sub3A_634 = arith.subi %add3A_632, %sub3A_633 : i32
      %lt3A_635 = arith.constant 104 : i32
      %lt3A_636 = arith.cmpi slt, %sub3A_634, %lt3A_635 : i32
      %convert_element_type3A_637 = arith.extui %lt3A_636 : i1 to i32
      %cond3A_638 = arith.constant 0 : i32
      %cond3A_639 = arith.cmpi ne, %convert_element_type3A_637, %cond3A_638 : i32
      scf.if %cond3A_639 {
        %add3A_845 = arith.constant 4 : i32
        %add3A_846 = arith.addi %add3A_624, %add3A_845 : i32
        %sub3A_847 = arith.constant 1 : i32
        %sub3A_848 = arith.subi %add3A_846, %sub3A_847 : i32
        %jit3A_849 = arith.constant 4 : i32
        %div3A_850 = arith.divsi %sub3A_848, %jit3A_849 : i32
        %sign3A_851 = arith.constant 0 : i32
        %sign3A_852 = arith.cmpi sgt, %sub3A_848, %sign3A_851 : i32
        %sign3A_853 = arith.extui %sign3A_852 : i1 to i32
        %sign3A_854 = arith.constant 0 : i32
        %sign3A_855 = arith.cmpi slt, %sub3A_848, %sign3A_854 : i32
        %sign3A_856 = arith.extui %sign3A_855 : i1 to i32
        %sign3A_857 = arith.subi %sign3A_853, %sign3A_856 : i32
        %sign3A_858 = arith.constant 0 : i32
        %sign3A_859 = arith.cmpi sgt, %jit3A_849, %sign3A_858 : i32
        %sign3A_860 = arith.extui %sign3A_859 : i1 to i32
        %sign3A_861 = arith.constant 0 : i32
        %sign3A_862 = arith.cmpi slt, %jit3A_849, %sign3A_861 : i32
        %sign3A_863 = arith.extui %sign3A_862 : i1 to i32
        %sign3A_864 = arith.subi %sign3A_860, %sign3A_863 : i32
        %ne3A_865 = arith.cmpi ne, %sign3A_857, %sign3A_864 : i32
        %rem3A_866 = arith.remsi %sub3A_848, %jit3A_849 : i32
        %ne3A_867 = arith.constant 0 : i32
        %ne3A_868 = arith.cmpi ne, %rem3A_866, %ne3A_867 : i32
        %and3A_869 = arith.andi %ne3A_865, %ne3A_868 : i1
        %sub3A_870 = arith.constant 1 : i32
        %sub3A_871 = arith.subi %div3A_850, %sub3A_870 : i32
        %select_n3A_872 = arith.select %and3A_869, %sub3A_871, %div3A_850 : i32
        %mul3A_873 = arith.constant 512 : i32
        %mul3A_874 = arith.muli %select_n3A_872, %mul3A_873 : i32
        %jit3A_875 = arith.constant 4 : i32
        %eq3A_876 = arith.constant 0 : i32
        %eq3A_877 = arith.cmpi eq, %jit3A_875, %eq3A_876 : i32
        %jit3A_878 = arith.constant 1 : i32
        %select_n3A_879 = arith.select %eq3A_877, %jit3A_878, %jit3A_875 : i32
        %rem3A_880 = arith.remsi %sub3A_848, %select_n3A_879 : i32
        %ne3A_881 = arith.constant 0 : i32
        %ne3A_882 = arith.cmpi ne, %rem3A_880, %ne3A_881 : i32
        %lt3A_883 = arith.constant 0 : i32
        %lt3A_884 = arith.cmpi slt, %rem3A_880, %lt3A_883 : i32
        %lt3A_885 = arith.constant 0 : i32
        %lt3A_886 = arith.cmpi slt, %select_n3A_879, %lt3A_885 : i32
        %ne3A_887 = arith.xori %lt3A_884, %lt3A_886 : i1
        %and3A_888 = arith.andi %ne3A_887, %ne3A_882 : i1
        %add3A_889 = arith.addi %rem3A_880, %select_n3A_879 : i32
        %select_n3A_890 = arith.select %and3A_888, %add3A_889, %rem3A_880 : i32
        %mul3A_891 = arith.constant 128 : i32
        %mul3A_892 = arith.muli %select_n3A_890, %mul3A_891 : i32
        %add3A_893 = arith.addi %mul3A_874, %mul3A_892 : i32
        %dma_start3A_894 = tpu.memref_slice %arg5[%add3A_893] : memref<13312xi32, #tpu.memory_space<vmem>> -> memref<128xi32, #tpu.memory_space<vmem>>
        %dma_start3A_895 = arith.constant 0 : i32
        %dma_start3A_896 = arith.constant 0 : i32
        %dma_start3A_897 = tpu.memref_slice %arg3[%dma_start3A_895, %dma_start3A_896] : memref<1000000x128xf32, #tpu.memory_space<hbm>> -> memref<1000000x128xf32, #tpu.memory_space<hbm>>
        tpu.enqueue_indirect_dma source(%dma_start3A_897 : memref<1000000x128xf32, #tpu.memory_space<hbm>>) target(%arg6 : memref<128x128xf32, #tpu.memory_space<vmem>>) offsets(%dma_start3A_894 : memref<128xi32, #tpu.memory_space<vmem>>) semaphore(%arg12 : memref<!tpu.dma_semaphore, #tpu.memory_space<semaphore_mem>>)
      } else {
      }
      %ge3A_640 = arith.constant 2 : i32
      %ge3A_641 = arith.cmpi sge, %add3A_624, %ge3A_640 : i32
      %convert_element_type3A_642 = arith.extui %ge3A_641 : i1 to i32
      %cond3A_643 = arith.constant 0 : i32
      %cond3A_644 = arith.cmpi ne, %convert_element_type3A_642, %cond3A_643 : i32
      scf.if %cond3A_644 {
        %dma_wait3A_845 = arith.constant 0 : i32
        %dma_wait3A_846 = arith.constant 0 : i32
        %dma_wait3A_847 = arith.constant 0 : i32
        %dma_wait3A_848 = tpu.memref_slice %arg4[%dma_wait3A_845, %dma_wait3A_846, %dma_wait3A_847] : memref<26x16384x64xf32, #tpu.memory_space<hbm>> -> memref<1x128x64xf32, #tpu.memory_space<hbm>>
        %dma_wait3A_849 = tpu.memref_squeeze %dma_wait3A_848 : memref<1x128x64xf32, #tpu.memory_space<hbm>> -> memref<128x64xf32, #tpu.memory_space<hbm>>
        %dma_wait3A_850 = arith.constant 0 : i32
        %dma_wait3A_851 = arith.constant 0 : i32
        %dma_wait3A_852 = tpu.memref_slice %arg4[%dma_wait3A_845, %dma_wait3A_850, %dma_wait3A_851] : memref<26x16384x64xf32, #tpu.memory_space<hbm>> -> memref<1x128x64xf32, #tpu.memory_space<hbm>>
        %dma_wait3A_853 = tpu.memref_squeeze %dma_wait3A_852 : memref<1x128x64xf32, #tpu.memory_space<hbm>> -> memref<128x64xf32, #tpu.memory_space<hbm>>
        tpu.wait_dma2 semaphore(%arg17 : memref<!tpu.dma_semaphore, #tpu.memory_space<semaphore_mem>>) src(%arg11 : memref<128x64xf32, #tpu.memory_space<vmem>>) dst(%dma_wait3A_853 : memref<128x64xf32, #tpu.memory_space<hbm>>)
      } else {
      }
      %parallel_loop3A_645 = arith.constant 0 : i32
      %parallel_loop3A_646 = arith.constant 128 : i32
      %parallel_loop3A_647 = arith.constant 1 : i32
      scf.for %parallel_loop3A_845 = %parallel_loop3A_645 to %parallel_loop3A_646 step %parallel_loop3A_647  : i32 {
        %parallel_loop3A_846 = arith.index_cast %parallel_loop3A_845 : i32 to index
        %parallel_loop3A_847 = arith.constant 0 : index
        %parallel_loop3A_848 = tpu.vector_load %arg7[%parallel_loop3A_846, %parallel_loop3A_847] {strides = array<i32>} : memref<128x128xf32, #tpu.memory_space<vmem>>, vector<16xf32>,
        %parallel_loop3A_849 = arith.index_cast %parallel_loop3A_845 : i32 to index
        %parallel_loop3A_850 = arith.constant 0 : index
        %parallel_loop3A_851 = tpu.vector_load %arg11[%parallel_loop3A_849, %parallel_loop3A_850] {strides = array<i32>} : memref<128x64xf32, #tpu.memory_space<vmem>>, vector<16xf32>,
        tpu.vector_store %arg11[%parallel_loop3A_849, %parallel_loop3A_850], %parallel_loop3A_848 {strides = array<i32>} : memref<128x64xf32, #tpu.memory_space<vmem>>, vector<16xf32>,
        %parallel_loop3A_852 = arith.index_cast %parallel_loop3A_845 : i32 to index
        %parallel_loop3A_853 = arith.constant 16 : index
        %parallel_loop3A_854 = tpu.vector_load %arg7[%parallel_loop3A_852, %parallel_loop3A_853] {strides = array<i32>} : memref<128x128xf32, #tpu.memory_space<vmem>>, vector<16xf32>,
        %parallel_loop3A_855 = arith.index_cast %parallel_loop3A_845 : i32 to index
        %parallel_loop3A_856 = arith.constant 16 : index
        %parallel_loop3A_857 = tpu.vector_load %arg11[%parallel_loop3A_855, %parallel_loop3A_856] {strides = array<i32>} : memref<128x64xf32, #tpu.memory_space<vmem>>, vector<16xf32>,
        tpu.vector_store %arg11[%parallel_loop3A_855, %parallel_loop3A_856], %parallel_loop3A_854 {strides = array<i32>} : memref<128x64xf32, #tpu.memory_space<vmem>>, vector<16xf32>,
        %parallel_loop3A_858 = arith.index_cast %parallel_loop3A_845 : i32 to index
        %parallel_loop3A_859 = arith.constant 32 : index
        %parallel_loop3A_860 = tpu.vector_load %arg7[%parallel_loop3A_858, %parallel_loop3A_859] {strides = array<i32>} : memref<128x128xf32, #tpu.memory_space<vmem>>, vector<16xf32>,
        %parallel_loop3A_861 = arith.index_cast %parallel_loop3A_845 : i32 to index
        %parallel_loop3A_862 = arith.constant 32 : index
        %parallel_loop3A_863 = tpu.vector_load %arg11[%parallel_loop3A_861, %parallel_loop3A_862] {strides = array<i32>} : memref<128x64xf32, #tpu.memory_space<vmem>>, vector<16xf32>,
        tpu.vector_store %arg11[%parallel_loop3A_861, %parallel_loop3A_862], %parallel_loop3A_860 {strides = array<i32>} : memref<128x64xf32, #tpu.memory_space<vmem>>, vector<16xf32>,
        %parallel_loop3A_864 = arith.index_cast %parallel_loop3A_845 : i32 to index
        %parallel_loop3A_865 = arith.constant 48 : index
        %parallel_loop3A_866 = tpu.vector_load %arg7[%parallel_loop3A_864, %parallel_loop3A_865] {strides = array<i32>} : memref<128x128xf32, #tpu.memory_space<vmem>>, vector<16xf32>,
        %parallel_loop3A_867 = arith.index_cast %parallel_loop3A_845 : i32 to index
        %parallel_loop3A_868 = arith.constant 48 : index
        %parallel_loop3A_869 = tpu.vector_load %arg11[%parallel_loop3A_867, %parallel_loop3A_868] {strides = array<i32>} : memref<128x64xf32, #tpu.memory_space<vmem>>, vector<16xf32>,
        tpu.vector_store %arg11[%parallel_loop3A_867, %parallel_loop3A_868], %parallel_loop3A_866 {strides = array<i32>} : memref<128x64xf32, #tpu.memory_space<vmem>>, vector<16xf32>,
      } {sc.loop_unroll_factor = 4 : i64, sc.parallel_access}
      %jit3A_648 = arith.constant 4 : i32
      %div3A_649 = arith.divsi %add3A_624, %jit3A_648 : i32
      %sign3A_650 = arith.constant 0 : i32
      %sign3A_651 = arith.cmpi sgt, %add3A_624, %sign3A_650 : i32
      %sign3A_652 = arith.extui %sign3A_651 : i1 to i32
      %sign3A_653 = arith.constant 0 : i32
      %sign3A_654 = arith.cmpi slt, %add3A_624, %sign3A_653 : i32
      %sign3A_655 = arith.extui %sign3A_654 : i1 to i32
      %sign3A_656 = arith.subi %sign3A_652, %sign3A_655 : i32
      %sign3A_657 = arith.constant 0 : i32
      %sign3A_658 = arith.cmpi sgt, %jit3A_648, %sign3A_657 : i32
      %sign3A_659 = arith.extui %sign3A_658 : i1 to i32
      %sign3A_660 = arith.constant 0 : i32
      %sign3A_661 = arith.cmpi slt, %jit3A_648, %sign3A_660 : i32
      %sign3A_662 = arith.extui %sign3A_661 : i1 to i32
      %sign3A_663 = arith.subi %sign3A_659, %sign3A_662 : i32
      %ne3A_664 = arith.cmpi ne, %sign3A_656, %sign3A_663 : i32
      %rem3A_665 = arith.remsi %add3A_624, %jit3A_648 : i32
      %ne3A_666 = arith.constant 0 : i32
      %ne3A_667 = arith.cmpi ne, %rem3A_665, %ne3A_666 : i32
      %and3A_668 = arith.andi %ne3A_664, %ne3A_667 : i1
      %sub3A_669 = arith.constant 1 : i32
      %sub3A_670 = arith.subi %div3A_649, %sub3A_669 : i32
      %select_n3A_671 = arith.select %and3A_668, %sub3A_670, %div3A_649 : i32
      %jit3A_672 = arith.constant 4 : i32
      %eq3A_673 = arith.constant 0 : i32
      %eq3A_674 = arith.cmpi eq, %jit3A_672, %eq3A_673 : i32
      %jit3A_675 = arith.constant 1 : i32
      %select_n3A_676 = arith.select %eq3A_674, %jit3A_675, %jit3A_672 : i32
      %rem3A_677 = arith.remsi %add3A_624, %select_n3A_676 : i32
      %ne3A_678 = arith.constant 0 : i32
      %ne3A_679 = arith.cmpi ne, %rem3A_677, %ne3A_678 : i32
      %lt3A_680 = arith.constant 0 : i32
      %lt3A_681 = arith.cmpi slt, %rem3A_677, %lt3A_680 : i32
      %lt3A_682 = arith.constant 0 : i32
      %lt3A_683 = arith.cmpi slt, %select_n3A_676, %lt3A_682 : i32
      %ne3A_684 = arith.xori %lt3A_681, %lt3A_683 : i1
      %and3A_685 = arith.andi %ne3A_684, %ne3A_679 : i1
      %add3A_686 = arith.addi %rem3A_677, %select_n3A_676 : i32
      %select_n3A_687 = arith.select %and3A_685, %add3A_686, %rem3A_677 : i32
      %mul3A_688 = arith.constant 128 : i32
      %mul3A_689 = arith.muli %select_n3A_687, %mul3A_688 : i32
      %add3A_690 = arith.addi %mul3A_2, %mul3A_689 : i32
      %dma_start3A_691 = arith.constant 0 : i32
      %dma_start3A_692 = tpu.memref_slice %arg4[%select_n3A_671, %add3A_690, %dma_start3A_691] : memref<26x16384x64xf32, #tpu.memory_space<hbm>> -> memref<1x128x64xf32, #tpu.memory_space<hbm>>
      %dma_start3A_693 = tpu.memref_squeeze %dma_start3A_692 : memref<1x128x64xf32, #tpu.memory_space<hbm>> -> memref<128x64xf32, #tpu.memory_space<hbm>>
      %dma_start3A_694 = arith.constant 0 : i32
      %dma_start3A_695 = tpu.memref_slice %arg4[%select_n3A_671, %add3A_690, %dma_start3A_694] : memref<26x16384x64xf32, #tpu.memory_space<hbm>> -> memref<1x128x64xf32, #tpu.memory_space<hbm>>
      %dma_start3A_696 = tpu.memref_squeeze %dma_start3A_695 : memref<1x128x64xf32, #tpu.memory_space<hbm>> -> memref<128x64xf32, #tpu.memory_space<hbm>>
      tpu.enqueue_dma source(%arg11 : memref<128x64xf32, #tpu.memory_space<vmem>>) target(%dma_start3A_696 : memref<128x64xf32, #tpu.memory_space<hbm>>) target_semaphore(%arg17 : memref<!tpu.dma_semaphore, #tpu.memory_space<semaphore_mem>>)
      %add3A_697 = arith.constant 2 : i32
      %add3A_698 = arith.addi %add3A_562, %add3A_697 : i32
      %dma_wait3A_699 = arith.constant 0 : i32
      %dma_wait3A_700 = arith.constant 0 : i32
      %dma_wait3A_701 = tpu.memref_slice %arg3[%dma_wait3A_699, %dma_wait3A_700] : memref<1000000x128xf32, #tpu.memory_space<hbm>> -> memref<128x128xf32, #tpu.memory_space<hbm>>
      %dma_wait3A_702 = arith.constant 0 : i32
      %dma_wait3A_703 = arith.constant 0 : i32
      %dma_wait3A_704 = tpu.memref_slice %arg3[%dma_wait3A_702, %dma_wait3A_703] : memref<1000000x128xf32, #tpu.memory_space<hbm>> -> memref<128x128xf32, #tpu.memory_space<hbm>>
      tpu.wait_dma2 semaphore(%arg14 : memref<!tpu.dma_semaphore, #tpu.memory_space<semaphore_mem>>) src(%dma_wait3A_704 : memref<128x128xf32, #tpu.memory_space<hbm>>) dst(%arg8 : memref<128x128xf32, #tpu.memory_space<vmem>>)
      %add3A_705 = arith.constant 4 : i32
      %add3A_706 = arith.addi %add3A_698, %add3A_705 : i32
      %sub3A_707 = arith.constant 1 : i32
      %sub3A_708 = arith.subi %add3A_706, %sub3A_707 : i32
      %lt3A_709 = arith.constant 104 : i32
      %lt3A_710 = arith.cmpi slt, %sub3A_708, %lt3A_709 : i32
      %convert_element_type3A_711 = arith.extui %lt3A_710 : i1 to i32
      %cond3A_712 = arith.constant 0 : i32
      %cond3A_713 = arith.cmpi ne, %convert_element_type3A_711, %cond3A_712 : i32
      scf.if %cond3A_713 {
        %add3A_845 = arith.constant 4 : i32
        %add3A_846 = arith.addi %add3A_698, %add3A_845 : i32
        %sub3A_847 = arith.constant 1 : i32
        %sub3A_848 = arith.subi %add3A_846, %sub3A_847 : i32
        %jit3A_849 = arith.constant 4 : i32
        %div3A_850 = arith.divsi %sub3A_848, %jit3A_849 : i32
        %sign3A_851 = arith.constant 0 : i32
        %sign3A_852 = arith.cmpi sgt, %sub3A_848, %sign3A_851 : i32
        %sign3A_853 = arith.extui %sign3A_852 : i1 to i32
        %sign3A_854 = arith.constant 0 : i32
        %sign3A_855 = arith.cmpi slt, %sub3A_848, %sign3A_854 : i32
        %sign3A_856 = arith.extui %sign3A_855 : i1 to i32
        %sign3A_857 = arith.subi %sign3A_853, %sign3A_856 : i32
        %sign3A_858 = arith.constant 0 : i32
        %sign3A_859 = arith.cmpi sgt, %jit3A_849, %sign3A_858 : i32
        %sign3A_860 = arith.extui %sign3A_859 : i1 to i32
        %sign3A_861 = arith.constant 0 : i32
        %sign3A_862 = arith.cmpi slt, %jit3A_849, %sign3A_861 : i32
        %sign3A_863 = arith.extui %sign3A_862 : i1 to i32
        %sign3A_864 = arith.subi %sign3A_860, %sign3A_863 : i32
        %ne3A_865 = arith.cmpi ne, %sign3A_857, %sign3A_864 : i32
        %rem3A_866 = arith.remsi %sub3A_848, %jit3A_849 : i32
        %ne3A_867 = arith.constant 0 : i32
        %ne3A_868 = arith.cmpi ne, %rem3A_866, %ne3A_867 : i32
        %and3A_869 = arith.andi %ne3A_865, %ne3A_868 : i1
        %sub3A_870 = arith.constant 1 : i32
        %sub3A_871 = arith.subi %div3A_850, %sub3A_870 : i32
        %select_n3A_872 = arith.select %and3A_869, %sub3A_871, %div3A_850 : i32
        %mul3A_873 = arith.constant 512 : i32
        %mul3A_874 = arith.muli %select_n3A_872, %mul3A_873 : i32
        %jit3A_875 = arith.constant 4 : i32
        %eq3A_876 = arith.constant 0 : i32
        %eq3A_877 = arith.cmpi eq, %jit3A_875, %eq3A_876 : i32
        %jit3A_878 = arith.constant 1 : i32
        %select_n3A_879 = arith.select %eq3A_877, %jit3A_878, %jit3A_875 : i32
        %rem3A_880 = arith.remsi %sub3A_848, %select_n3A_879 : i32
        %ne3A_881 = arith.constant 0 : i32
        %ne3A_882 = arith.cmpi ne, %rem3A_880, %ne3A_881 : i32
        %lt3A_883 = arith.constant 0 : i32
        %lt3A_884 = arith.cmpi slt, %rem3A_880, %lt3A_883 : i32
        %lt3A_885 = arith.constant 0 : i32
        %lt3A_886 = arith.cmpi slt, %select_n3A_879, %lt3A_885 : i32
        %ne3A_887 = arith.xori %lt3A_884, %lt3A_886 : i1
        %and3A_888 = arith.andi %ne3A_887, %ne3A_882 : i1
        %add3A_889 = arith.addi %rem3A_880, %select_n3A_879 : i32
        %select_n3A_890 = arith.select %and3A_888, %add3A_889, %rem3A_880 : i32
        %mul3A_891 = arith.constant 128 : i32
        %mul3A_892 = arith.muli %select_n3A_890, %mul3A_891 : i32
        %add3A_893 = arith.addi %mul3A_874, %mul3A_892 : i32
        %dma_start3A_894 = tpu.memref_slice %arg5[%add3A_893] : memref<13312xi32, #tpu.memory_space<vmem>> -> memref<128xi32, #tpu.memory_space<vmem>>
        %dma_start3A_895 = arith.constant 0 : i32
        %dma_start3A_896 = arith.constant 0 : i32
        %dma_start3A_897 = tpu.memref_slice %arg3[%dma_start3A_895, %dma_start3A_896] : memref<1000000x128xf32, #tpu.memory_space<hbm>> -> memref<1000000x128xf32, #tpu.memory_space<hbm>>
        tpu.enqueue_indirect_dma source(%dma_start3A_897 : memref<1000000x128xf32, #tpu.memory_space<hbm>>) target(%arg7 : memref<128x128xf32, #tpu.memory_space<vmem>>) offsets(%dma_start3A_894 : memref<128xi32, #tpu.memory_space<vmem>>) semaphore(%arg13 : memref<!tpu.dma_semaphore, #tpu.memory_space<semaphore_mem>>)
      } else {
      }
      %ge3A_714 = arith.constant 2 : i32
      %ge3A_715 = arith.cmpi sge, %add3A_698, %ge3A_714 : i32
      %convert_element_type3A_716 = arith.extui %ge3A_715 : i1 to i32
      %cond3A_717 = arith.constant 0 : i32
      %cond3A_718 = arith.cmpi ne, %convert_element_type3A_716, %cond3A_717 : i32
      scf.if %cond3A_718 {
        %dma_wait3A_845 = arith.constant 0 : i32
        %dma_wait3A_846 = arith.constant 0 : i32
        %dma_wait3A_847 = arith.constant 0 : i32
        %dma_wait3A_848 = tpu.memref_slice %arg4[%dma_wait3A_845, %dma_wait3A_846, %dma_wait3A_847] : memref<26x16384x64xf32, #tpu.memory_space<hbm>> -> memref<1x128x64xf32, #tpu.memory_space<hbm>>
        %dma_wait3A_849 = tpu.memref_squeeze %dma_wait3A_848 : memref<1x128x64xf32, #tpu.memory_space<hbm>> -> memref<128x64xf32, #tpu.memory_space<hbm>>
        %dma_wait3A_850 = arith.constant 0 : i32
        %dma_wait3A_851 = arith.constant 0 : i32
        %dma_wait3A_852 = tpu.memref_slice %arg4[%dma_wait3A_845, %dma_wait3A_850, %dma_wait3A_851] : memref<26x16384x64xf32, #tpu.memory_space<hbm>> -> memref<1x128x64xf32, #tpu.memory_space<hbm>>
        %dma_wait3A_853 = tpu.memref_squeeze %dma_wait3A_852 : memref<1x128x64xf32, #tpu.memory_space<hbm>> -> memref<128x64xf32, #tpu.memory_space<hbm>>
        tpu.wait_dma2 semaphore(%arg16 : memref<!tpu.dma_semaphore, #tpu.memory_space<semaphore_mem>>) src(%arg10 : memref<128x64xf32, #tpu.memory_space<vmem>>) dst(%dma_wait3A_853 : memref<128x64xf32, #tpu.memory_space<hbm>>)
      } else {
      }
      %parallel_loop3A_719 = arith.constant 0 : i32
      %parallel_loop3A_720 = arith.constant 128 : i32
      %parallel_loop3A_721 = arith.constant 1 : i32
      scf.for %parallel_loop3A_845 = %parallel_loop3A_719 to %parallel_loop3A_720 step %parallel_loop3A_721  : i32 {
        %parallel_loop3A_846 = arith.index_cast %parallel_loop3A_845 : i32 to index
        %parallel_loop3A_847 = arith.constant 0 : index
        %parallel_loop3A_848 = tpu.vector_load %arg8[%parallel_loop3A_846, %parallel_loop3A_847] {strides = array<i32>} : memref<128x128xf32, #tpu.memory_space<vmem>>, vector<16xf32>,
        %parallel_loop3A_849 = arith.index_cast %parallel_loop3A_845 : i32 to index
        %parallel_loop3A_850 = arith.constant 0 : index
        %parallel_loop3A_851 = tpu.vector_load %arg10[%parallel_loop3A_849, %parallel_loop3A_850] {strides = array<i32>} : memref<128x64xf32, #tpu.memory_space<vmem>>, vector<16xf32>,
        tpu.vector_store %arg10[%parallel_loop3A_849, %parallel_loop3A_850], %parallel_loop3A_848 {strides = array<i32>} : memref<128x64xf32, #tpu.memory_space<vmem>>, vector<16xf32>,
        %parallel_loop3A_852 = arith.index_cast %parallel_loop3A_845 : i32 to index
        %parallel_loop3A_853 = arith.constant 16 : index
        %parallel_loop3A_854 = tpu.vector_load %arg8[%parallel_loop3A_852, %parallel_loop3A_853] {strides = array<i32>} : memref<128x128xf32, #tpu.memory_space<vmem>>, vector<16xf32>,
        %parallel_loop3A_855 = arith.index_cast %parallel_loop3A_845 : i32 to index
        %parallel_loop3A_856 = arith.constant 16 : index
        %parallel_loop3A_857 = tpu.vector_load %arg10[%parallel_loop3A_855, %parallel_loop3A_856] {strides = array<i32>} : memref<128x64xf32, #tpu.memory_space<vmem>>, vector<16xf32>,
        tpu.vector_store %arg10[%parallel_loop3A_855, %parallel_loop3A_856], %parallel_loop3A_854 {strides = array<i32>} : memref<128x64xf32, #tpu.memory_space<vmem>>, vector<16xf32>,
        %parallel_loop3A_858 = arith.index_cast %parallel_loop3A_845 : i32 to index
        %parallel_loop3A_859 = arith.constant 32 : index
        %parallel_loop3A_860 = tpu.vector_load %arg8[%parallel_loop3A_858, %parallel_loop3A_859] {strides = array<i32>} : memref<128x128xf32, #tpu.memory_space<vmem>>, vector<16xf32>,
        %parallel_loop3A_861 = arith.index_cast %parallel_loop3A_845 : i32 to index
        %parallel_loop3A_862 = arith.constant 32 : index
        %parallel_loop3A_863 = tpu.vector_load %arg10[%parallel_loop3A_861, %parallel_loop3A_862] {strides = array<i32>} : memref<128x64xf32, #tpu.memory_space<vmem>>, vector<16xf32>,
        tpu.vector_store %arg10[%parallel_loop3A_861, %parallel_loop3A_862], %parallel_loop3A_860 {strides = array<i32>} : memref<128x64xf32, #tpu.memory_space<vmem>>, vector<16xf32>,
        %parallel_loop3A_864 = arith.index_cast %parallel_loop3A_845 : i32 to index
        %parallel_loop3A_865 = arith.constant 48 : index
        %parallel_loop3A_866 = tpu.vector_load %arg8[%parallel_loop3A_864, %parallel_loop3A_865] {strides = array<i32>} : memref<128x128xf32, #tpu.memory_space<vmem>>, vector<16xf32>,
        %parallel_loop3A_867 = arith.index_cast %parallel_loop3A_845 : i32 to index
        %parallel_loop3A_868 = arith.constant 48 : index
        %parallel_loop3A_869 = tpu.vector_load %arg10[%parallel_loop3A_867, %parallel_loop3A_868] {strides = array<i32>} : memref<128x64xf32, #tpu.memory_space<vmem>>, vector<16xf32>,
        tpu.vector_store %arg10[%parallel_loop3A_867, %parallel_loop3A_868], %parallel_loop3A_866 {strides = array<i32>} : memref<128x64xf32, #tpu.memory_space<vmem>>, vector<16xf32>,
      } {sc.loop_unroll_factor = 4 : i64, sc.parallel_access}
      %jit3A_722 = arith.constant 4 : i32
      %div3A_723 = arith.divsi %add3A_698, %jit3A_722 : i32
      %sign3A_724 = arith.constant 0 : i32
      %sign3A_725 = arith.cmpi sgt, %add3A_698, %sign3A_724 : i32
      %sign3A_726 = arith.extui %sign3A_725 : i1 to i32
      %sign3A_727 = arith.constant 0 : i32
      %sign3A_728 = arith.cmpi slt, %add3A_698, %sign3A_727 : i32
      %sign3A_729 = arith.extui %sign3A_728 : i1 to i32
      %sign3A_730 = arith.subi %sign3A_726, %sign3A_729 : i32
      %sign3A_731 = arith.constant 0 : i32
      %sign3A_732 = arith.cmpi sgt, %jit3A_722, %sign3A_731 : i32
      %sign3A_733 = arith.extui %sign3A_732 : i1 to i32
      %sign3A_734 = arith.constant 0 : i32
      %sign3A_735 = arith.cmpi slt, %jit3A_722, %sign3A_734 : i32
      %sign3A_736 = arith.extui %sign3A_735 : i1 to i32
      %sign3A_737 = arith.subi %sign3A_733, %sign3A_736 : i32
      %ne3A_738 = arith.cmpi ne, %sign3A_730, %sign3A_737 : i32
      %rem3A_739 = arith.remsi %add3A_698, %jit3A_722 : i32
      %ne3A_740 = arith.constant 0 : i32
      %ne3A_741 = arith.cmpi ne, %rem3A_739, %ne3A_740 : i32
      %and3A_742 = arith.andi %ne3A_738, %ne3A_741 : i1
      %sub3A_743 = arith.constant 1 : i32
      %sub3A_744 = arith.subi %div3A_723, %sub3A_743 : i32
      %select_n3A_745 = arith.select %and3A_742, %sub3A_744, %div3A_723 : i32
      %jit3A_746 = arith.constant 4 : i32
      %eq3A_747 = arith.constant 0 : i32
      %eq3A_748 = arith.cmpi eq, %jit3A_746, %eq3A_747 : i32
      %jit3A_749 = arith.constant 1 : i32
      %select_n3A_750 = arith.select %eq3A_748, %jit3A_749, %jit3A_746 : i32
      %rem3A_751 = arith.remsi %add3A_698, %select_n3A_750 : i32
      %ne3A_752 = arith.constant 0 : i32
      %ne3A_753 = arith.cmpi ne, %rem3A_751, %ne3A_752 : i32
      %lt3A_754 = arith.constant 0 : i32
      %lt3A_755 = arith.cmpi slt, %rem3A_751, %lt3A_754 : i32
      %lt3A_756 = arith.constant 0 : i32
      %lt3A_757 = arith.cmpi slt, %select_n3A_750, %lt3A_756 : i32
      %ne3A_758 = arith.xori %lt3A_755, %lt3A_757 : i1
      %and3A_759 = arith.andi %ne3A_758, %ne3A_753 : i1
      %add3A_760 = arith.addi %rem3A_751, %select_n3A_750 : i32
      %select_n3A_761 = arith.select %and3A_759, %add3A_760, %rem3A_751 : i32
      %mul3A_762 = arith.constant 128 : i32
      %mul3A_763 = arith.muli %select_n3A_761, %mul3A_762 : i32
      %add3A_764 = arith.addi %mul3A_2, %mul3A_763 : i32
      %dma_start3A_765 = arith.constant 0 : i32
      %dma_start3A_766 = tpu.memref_slice %arg4[%select_n3A_745, %add3A_764, %dma_start3A_765] : memref<26x16384x64xf32, #tpu.memory_space<hbm>> -> memref<1x128x64xf32, #tpu.memory_space<hbm>>
      %dma_start3A_767 = tpu.memref_squeeze %dma_start3A_766 : memref<1x128x64xf32, #tpu.memory_space<hbm>> -> memref<128x64xf32, #tpu.memory_space<hbm>>
      %dma_start3A_768 = arith.constant 0 : i32
      %dma_start3A_769 = tpu.memref_slice %arg4[%select_n3A_745, %add3A_764, %dma_start3A_768] : memref<26x16384x64xf32, #tpu.memory_space<hbm>> -> memref<1x128x64xf32, #tpu.memory_space<hbm>>
      %dma_start3A_770 = tpu.memref_squeeze %dma_start3A_769 : memref<1x128x64xf32, #tpu.memory_space<hbm>> -> memref<128x64xf32, #tpu.memory_space<hbm>>
      tpu.enqueue_dma source(%arg10 : memref<128x64xf32, #tpu.memory_space<vmem>>) target(%dma_start3A_770 : memref<128x64xf32, #tpu.memory_space<hbm>>) target_semaphore(%arg16 : memref<!tpu.dma_semaphore, #tpu.memory_space<semaphore_mem>>)
      %add3A_771 = arith.constant 3 : i32
      %add3A_772 = arith.addi %add3A_562, %add3A_771 : i32
      %dma_wait3A_773 = arith.constant 0 : i32
      %dma_wait3A_774 = arith.constant 0 : i32
      %dma_wait3A_775 = tpu.memref_slice %arg3[%dma_wait3A_773, %dma_wait3A_774] : memref<1000000x128xf32, #tpu.memory_space<hbm>> -> memref<128x128xf32, #tpu.memory_space<hbm>>
      %dma_wait3A_776 = arith.constant 0 : i32
      %dma_wait3A_777 = arith.constant 0 : i32
      %dma_wait3A_778 = tpu.memref_slice %arg3[%dma_wait3A_776, %dma_wait3A_777] : memref<1000000x128xf32, #tpu.memory_space<hbm>> -> memref<128x128xf32, #tpu.memory_space<hbm>>
      tpu.wait_dma2 semaphore(%arg15 : memref<!tpu.dma_semaphore, #tpu.memory_space<semaphore_mem>>) src(%dma_wait3A_778 : memref<128x128xf32, #tpu.memory_space<hbm>>) dst(%arg9 : memref<128x128xf32, #tpu.memory_space<vmem>>)
      %add3A_779 = arith.constant 4 : i32
      %add3A_780 = arith.addi %add3A_772, %add3A_779 : i32
      %sub3A_781 = arith.constant 1 : i32
      %sub3A_782 = arith.subi %add3A_780, %sub3A_781 : i32
      %lt3A_783 = arith.constant 104 : i32
      %lt3A_784 = arith.cmpi slt, %sub3A_782, %lt3A_783 : i32
      %convert_element_type3A_785 = arith.extui %lt3A_784 : i1 to i32
      %cond3A_786 = arith.constant 0 : i32
      %cond3A_787 = arith.cmpi ne, %convert_element_type3A_785, %cond3A_786 : i32
      scf.if %cond3A_787 {
        %add3A_845 = arith.constant 4 : i32
        %add3A_846 = arith.addi %add3A_772, %add3A_845 : i32
        %sub3A_847 = arith.constant 1 : i32
        %sub3A_848 = arith.subi %add3A_846, %sub3A_847 : i32
        %jit3A_849 = arith.constant 4 : i32
        %div3A_850 = arith.divsi %sub3A_848, %jit3A_849 : i32
        %sign3A_851 = arith.constant 0 : i32
        %sign3A_852 = arith.cmpi sgt, %sub3A_848, %sign3A_851 : i32
        %sign3A_853 = arith.extui %sign3A_852 : i1 to i32
        %sign3A_854 = arith.constant 0 : i32
        %sign3A_855 = arith.cmpi slt, %sub3A_848, %sign3A_854 : i32
        %sign3A_856 = arith.extui %sign3A_855 : i1 to i32
        %sign3A_857 = arith.subi %sign3A_853, %sign3A_856 : i32
        %sign3A_858 = arith.constant 0 : i32
        %sign3A_859 = arith.cmpi sgt, %jit3A_849, %sign3A_858 : i32
        %sign3A_860 = arith.extui %sign3A_859 : i1 to i32
        %sign3A_861 = arith.constant 0 : i32
        %sign3A_862 = arith.cmpi slt, %jit3A_849, %sign3A_861 : i32
        %sign3A_863 = arith.extui %sign3A_862 : i1 to i32
        %sign3A_864 = arith.subi %sign3A_860, %sign3A_863 : i32
        %ne3A_865 = arith.cmpi ne, %sign3A_857, %sign3A_864 : i32
        %rem3A_866 = arith.remsi %sub3A_848, %jit3A_849 : i32
        %ne3A_867 = arith.constant 0 : i32
        %ne3A_868 = arith.cmpi ne, %rem3A_866, %ne3A_867 : i32
        %and3A_869 = arith.andi %ne3A_865, %ne3A_868 : i1
        %sub3A_870 = arith.constant 1 : i32
        %sub3A_871 = arith.subi %div3A_850, %sub3A_870 : i32
        %select_n3A_872 = arith.select %and3A_869, %sub3A_871, %div3A_850 : i32
        %mul3A_873 = arith.constant 512 : i32
        %mul3A_874 = arith.muli %select_n3A_872, %mul3A_873 : i32
        %jit3A_875 = arith.constant 4 : i32
        %eq3A_876 = arith.constant 0 : i32
        %eq3A_877 = arith.cmpi eq, %jit3A_875, %eq3A_876 : i32
        %jit3A_878 = arith.constant 1 : i32
        %select_n3A_879 = arith.select %eq3A_877, %jit3A_878, %jit3A_875 : i32
        %rem3A_880 = arith.remsi %sub3A_848, %select_n3A_879 : i32
        %ne3A_881 = arith.constant 0 : i32
        %ne3A_882 = arith.cmpi ne, %rem3A_880, %ne3A_881 : i32
        %lt3A_883 = arith.constant 0 : i32
        %lt3A_884 = arith.cmpi slt, %rem3A_880, %lt3A_883 : i32
        %lt3A_885 = arith.constant 0 : i32
        %lt3A_886 = arith.cmpi slt, %select_n3A_879, %lt3A_885 : i32
        %ne3A_887 = arith.xori %lt3A_884, %lt3A_886 : i1
        %and3A_888 = arith.andi %ne3A_887, %ne3A_882 : i1
        %add3A_889 = arith.addi %rem3A_880, %select_n3A_879 : i32
        %select_n3A_890 = arith.select %and3A_888, %add3A_889, %rem3A_880 : i32
        %mul3A_891 = arith.constant 128 : i32
        %mul3A_892 = arith.muli %select_n3A_890, %mul3A_891 : i32
        %add3A_893 = arith.addi %mul3A_874, %mul3A_892 : i32
        %dma_start3A_894 = tpu.memref_slice %arg5[%add3A_893] : memref<13312xi32, #tpu.memory_space<vmem>> -> memref<128xi32, #tpu.memory_space<vmem>>
        %dma_start3A_895 = arith.constant 0 : i32
        %dma_start3A_896 = arith.constant 0 : i32
        %dma_start3A_897 = tpu.memref_slice %arg3[%dma_start3A_895, %dma_start3A_896] : memref<1000000x128xf32, #tpu.memory_space<hbm>> -> memref<1000000x128xf32, #tpu.memory_space<hbm>>
        tpu.enqueue_indirect_dma source(%dma_start3A_897 : memref<1000000x128xf32, #tpu.memory_space<hbm>>) target(%arg8 : memref<128x128xf32, #tpu.memory_space<vmem>>) offsets(%dma_start3A_894 : memref<128xi32, #tpu.memory_space<vmem>>) semaphore(%arg14 : memref<!tpu.dma_semaphore, #tpu.memory_space<semaphore_mem>>)
      } else {
      }
      %ge3A_788 = arith.constant 2 : i32
      %ge3A_789 = arith.cmpi sge, %add3A_772, %ge3A_788 : i32
      %convert_element_type3A_790 = arith.extui %ge3A_789 : i1 to i32
      %cond3A_791 = arith.constant 0 : i32
      %cond3A_792 = arith.cmpi ne, %convert_element_type3A_790, %cond3A_791 : i32
      scf.if %cond3A_792 {
        %dma_wait3A_845 = arith.constant 0 : i32
        %dma_wait3A_846 = arith.constant 0 : i32
        %dma_wait3A_847 = arith.constant 0 : i32
        %dma_wait3A_848 = tpu.memref_slice %arg4[%dma_wait3A_845, %dma_wait3A_846, %dma_wait3A_847] : memref<26x16384x64xf32, #tpu.memory_space<hbm>> -> memref<1x128x64xf32, #tpu.memory_space<hbm>>
        %dma_wait3A_849 = tpu.memref_squeeze %dma_wait3A_848 : memref<1x128x64xf32, #tpu.memory_space<hbm>> -> memref<128x64xf32, #tpu.memory_space<hbm>>
        %dma_wait3A_850 = arith.constant 0 : i32
        %dma_wait3A_851 = arith.constant 0 : i32
        %dma_wait3A_852 = tpu.memref_slice %arg4[%dma_wait3A_845, %dma_wait3A_850, %dma_wait3A_851] : memref<26x16384x64xf32, #tpu.memory_space<hbm>> -> memref<1x128x64xf32, #tpu.memory_space<hbm>>
        %dma_wait3A_853 = tpu.memref_squeeze %dma_wait3A_852 : memref<1x128x64xf32, #tpu.memory_space<hbm>> -> memref<128x64xf32, #tpu.memory_space<hbm>>
        tpu.wait_dma2 semaphore(%arg17 : memref<!tpu.dma_semaphore, #tpu.memory_space<semaphore_mem>>) src(%arg11 : memref<128x64xf32, #tpu.memory_space<vmem>>) dst(%dma_wait3A_853 : memref<128x64xf32, #tpu.memory_space<hbm>>)
      } else {
      }
      %parallel_loop3A_793 = arith.constant 0 : i32
      %parallel_loop3A_794 = arith.constant 128 : i32
      %parallel_loop3A_795 = arith.constant 1 : i32
      scf.for %parallel_loop3A_845 = %parallel_loop3A_793 to %parallel_loop3A_794 step %parallel_loop3A_795  : i32 {
        %parallel_loop3A_846 = arith.index_cast %parallel_loop3A_845 : i32 to index
        %parallel_loop3A_847 = arith.constant 0 : index
        %parallel_loop3A_848 = tpu.vector_load %arg9[%parallel_loop3A_846, %parallel_loop3A_847] {strides = array<i32>} : memref<128x128xf32, #tpu.memory_space<vmem>>, vector<16xf32>,
        %parallel_loop3A_849 = arith.index_cast %parallel_loop3A_845 : i32 to index
        %parallel_loop3A_850 = arith.constant 0 : index
        %parallel_loop3A_851 = tpu.vector_load %arg11[%parallel_loop3A_849, %parallel_loop3A_850] {strides = array<i32>} : memref<128x64xf32, #tpu.memory_space<vmem>>, vector<16xf32>,
        tpu.vector_store %arg11[%parallel_loop3A_849, %parallel_loop3A_850], %parallel_loop3A_848 {strides = array<i32>} : memref<128x64xf32, #tpu.memory_space<vmem>>, vector<16xf32>,
        %parallel_loop3A_852 = arith.index_cast %parallel_loop3A_845 : i32 to index
        %parallel_loop3A_853 = arith.constant 16 : index
        %parallel_loop3A_854 = tpu.vector_load %arg9[%parallel_loop3A_852, %parallel_loop3A_853] {strides = array<i32>} : memref<128x128xf32, #tpu.memory_space<vmem>>, vector<16xf32>,
        %parallel_loop3A_855 = arith.index_cast %parallel_loop3A_845 : i32 to index
        %parallel_loop3A_856 = arith.constant 16 : index
        %parallel_loop3A_857 = tpu.vector_load %arg11[%parallel_loop3A_855, %parallel_loop3A_856] {strides = array<i32>} : memref<128x64xf32, #tpu.memory_space<vmem>>, vector<16xf32>,
        tpu.vector_store %arg11[%parallel_loop3A_855, %parallel_loop3A_856], %parallel_loop3A_854 {strides = array<i32>} : memref<128x64xf32, #tpu.memory_space<vmem>>, vector<16xf32>,
        %parallel_loop3A_858 = arith.index_cast %parallel_loop3A_845 : i32 to index
        %parallel_loop3A_859 = arith.constant 32 : index
        %parallel_loop3A_860 = tpu.vector_load %arg9[%parallel_loop3A_858, %parallel_loop3A_859] {strides = array<i32>} : memref<128x128xf32, #tpu.memory_space<vmem>>, vector<16xf32>,
        %parallel_loop3A_861 = arith.index_cast %parallel_loop3A_845 : i32 to index
        %parallel_loop3A_862 = arith.constant 32 : index
        %parallel_loop3A_863 = tpu.vector_load %arg11[%parallel_loop3A_861, %parallel_loop3A_862] {strides = array<i32>} : memref<128x64xf32, #tpu.memory_space<vmem>>, vector<16xf32>,
        tpu.vector_store %arg11[%parallel_loop3A_861, %parallel_loop3A_862], %parallel_loop3A_860 {strides = array<i32>} : memref<128x64xf32, #tpu.memory_space<vmem>>, vector<16xf32>,
        %parallel_loop3A_864 = arith.index_cast %parallel_loop3A_845 : i32 to index
        %parallel_loop3A_865 = arith.constant 48 : index
        %parallel_loop3A_866 = tpu.vector_load %arg9[%parallel_loop3A_864, %parallel_loop3A_865] {strides = array<i32>} : memref<128x128xf32, #tpu.memory_space<vmem>>, vector<16xf32>,
        %parallel_loop3A_867 = arith.index_cast %parallel_loop3A_845 : i32 to index
        %parallel_loop3A_868 = arith.constant 48 : index
        %parallel_loop3A_869 = tpu.vector_load %arg11[%parallel_loop3A_867, %parallel_loop3A_868] {strides = array<i32>} : memref<128x64xf32, #tpu.memory_space<vmem>>, vector<16xf32>,
        tpu.vector_store %arg11[%parallel_loop3A_867, %parallel_loop3A_868], %parallel_loop3A_866 {strides = array<i32>} : memref<128x64xf32, #tpu.memory_space<vmem>>, vector<16xf32>,
      } {sc.loop_unroll_factor = 4 : i64, sc.parallel_access}
      %jit3A_796 = arith.constant 4 : i32
      %div3A_797 = arith.divsi %add3A_772, %jit3A_796 : i32
      %sign3A_798 = arith.constant 0 : i32
      %sign3A_799 = arith.cmpi sgt, %add3A_772, %sign3A_798 : i32
      %sign3A_800 = arith.extui %sign3A_799 : i1 to i32
      %sign3A_801 = arith.constant 0 : i32
      %sign3A_802 = arith.cmpi slt, %add3A_772, %sign3A_801 : i32
      %sign3A_803 = arith.extui %sign3A_802 : i1 to i32
      %sign3A_804 = arith.subi %sign3A_800, %sign3A_803 : i32
      %sign3A_805 = arith.constant 0 : i32
      %sign3A_806 = arith.cmpi sgt, %jit3A_796, %sign3A_805 : i32
      %sign3A_807 = arith.extui %sign3A_806 : i1 to i32
      %sign3A_808 = arith.constant 0 : i32
      %sign3A_809 = arith.cmpi slt, %jit3A_796, %sign3A_808 : i32
      %sign3A_810 = arith.extui %sign3A_809 : i1 to i32
      %sign3A_811 = arith.subi %sign3A_807, %sign3A_810 : i32
      %ne3A_812 = arith.cmpi ne, %sign3A_804, %sign3A_811 : i32
      %rem3A_813 = arith.remsi %add3A_772, %jit3A_796 : i32
      %ne3A_814 = arith.constant 0 : i32
      %ne3A_815 = arith.cmpi ne, %rem3A_813, %ne3A_814 : i32
      %and3A_816 = arith.andi %ne3A_812, %ne3A_815 : i1
      %sub3A_817 = arith.constant 1 : i32
      %sub3A_818 = arith.subi %div3A_797, %sub3A_817 : i32
      %select_n3A_819 = arith.select %and3A_816, %sub3A_818, %div3A_797 : i32
      %jit3A_820 = arith.constant 4 : i32
      %eq3A_821 = arith.constant 0 : i32
      %eq3A_822 = arith.cmpi eq, %jit3A_820, %eq3A_821 : i32
      %jit3A_823 = arith.constant 1 : i32
      %select_n3A_824 = arith.select %eq3A_822, %jit3A_823, %jit3A_820 : i32
      %rem3A_825 = arith.remsi %add3A_772, %select_n3A_824 : i32
      %ne3A_826 = arith.constant 0 : i32
      %ne3A_827 = arith.cmpi ne, %rem3A_825, %ne3A_826 : i32
      %lt3A_828 = arith.constant 0 : i32
      %lt3A_829 = arith.cmpi slt, %rem3A_825, %lt3A_828 : i32
      %lt3A_830 = arith.constant 0 : i32
      %lt3A_831 = arith.cmpi slt, %select_n3A_824, %lt3A_830 : i32
      %ne3A_832 = arith.xori %lt3A_829, %lt3A_831 : i1
      %and3A_833 = arith.andi %ne3A_832, %ne3A_827 : i1
      %add3A_834 = arith.addi %rem3A_825, %select_n3A_824 : i32
      %select_n3A_835 = arith.select %and3A_833, %add3A_834, %rem3A_825 : i32
      %mul3A_836 = arith.constant 128 : i32
      %mul3A_837 = arith.muli %select_n3A_835, %mul3A_836 : i32
      %add3A_838 = arith.addi %mul3A_2, %mul3A_837 : i32
      %dma_start3A_839 = arith.constant 0 : i32
      %dma_start3A_840 = tpu.memref_slice %arg4[%select_n3A_819, %add3A_838, %dma_start3A_839] : memref<26x16384x64xf32, #tpu.memory_space<hbm>> -> memref<1x128x64xf32, #tpu.memory_space<hbm>>
      %dma_start3A_841 = tpu.memref_squeeze %dma_start3A_840 : memref<1x128x64xf32, #tpu.memory_space<hbm>> -> memref<128x64xf32, #tpu.memory_space<hbm>>
      %dma_start3A_842 = arith.constant 0 : i32
      %dma_start3A_843 = tpu.memref_slice %arg4[%select_n3A_819, %add3A_838, %dma_start3A_842] : memref<26x16384x64xf32, #tpu.memory_space<hbm>> -> memref<1x128x64xf32, #tpu.memory_space<hbm>>
      %dma_start3A_844 = tpu.memref_squeeze %dma_start3A_843 : memref<1x128x64xf32, #tpu.memory_space<hbm>> -> memref<128x64xf32, #tpu.memory_space<hbm>>
      tpu.enqueue_dma source(%arg11 : memref<128x64xf32, #tpu.memory_space<vmem>>) target(%dma_start3A_844 : memref<128x64xf32, #tpu.memory_space<hbm>>) target_semaphore(%arg17 : memref<!tpu.dma_semaphore, #tpu.memory_space<semaphore_mem>>)
    }
    %scan3A_539 = arith.constant 26 : i32
    %dma_wait3A_540 = arith.constant 0 : i32
    %dma_wait3A_541 = arith.constant 0 : i32
    %dma_wait3A_542 = arith.constant 0 : i32
    %dma_wait3A_543 = tpu.memref_slice %arg4[%dma_wait3A_540, %dma_wait3A_541, %dma_wait3A_542] : memref<26x16384x64xf32, #tpu.memory_space<hbm>> -> memref<1x128x64xf32, #tpu.memory_space<hbm>>
    %dma_wait3A_544 = tpu.memref_squeeze %dma_wait3A_543 : memref<1x128x64xf32, #tpu.memory_space<hbm>> -> memref<128x64xf32, #tpu.memory_space<hbm>>
    %dma_wait3A_545 = arith.constant 0 : i32
    %dma_wait3A_546 = arith.constant 0 : i32
    %dma_wait3A_547 = tpu.memref_slice %arg4[%dma_wait3A_540, %dma_wait3A_545, %dma_wait3A_546] : memref<26x16384x64xf32, #tpu.memory_space<hbm>> -> memref<1x128x64xf32, #tpu.memory_space<hbm>>
    %dma_wait3A_548 = tpu.memref_squeeze %dma_wait3A_547 : memref<1x128x64xf32, #tpu.memory_space<hbm>> -> memref<128x64xf32, #tpu.memory_space<hbm>>
    tpu.wait_dma2 semaphore(%arg16 : memref<!tpu.dma_semaphore, #tpu.memory_space<semaphore_mem>>) src(%arg10 : memref<128x64xf32, #tpu.memory_space<vmem>>) dst(%dma_wait3A_548 : memref<128x64xf32, #tpu.memory_space<hbm>>)
    %dma_wait3A_549 = arith.constant 0 : i32
    %dma_wait3A_550 = arith.constant 0 : i32
    %dma_wait3A_551 = arith.constant 0 : i32
    %dma_wait3A_552 = tpu.memref_slice %arg4[%dma_wait3A_549, %dma_wait3A_550, %dma_wait3A_551] : memref<26x16384x64xf32, #tpu.memory_space<hbm>> -> memref<1x128x64xf32, #tpu.memory_space<hbm>>
    %dma_wait3A_553 = tpu.memref_squeeze %dma_wait3A_552 : memref<1x128x64xf32, #tpu.memory_space<hbm>> -> memref<128x64xf32, #tpu.memory_space<hbm>>
    %dma_wait3A_554 = arith.constant 0 : i32
    %dma_wait3A_555 = arith.constant 0 : i32
    %dma_wait3A_556 = tpu.memref_slice %arg4[%dma_wait3A_549, %dma_wait3A_554, %dma_wait3A_555] : memref<26x16384x64xf32, #tpu.memory_space<hbm>> -> memref<1x128x64xf32, #tpu.memory_space<hbm>>
    %dma_wait3A_557 = tpu.memref_squeeze %dma_wait3A_556 : memref<1x128x64xf32, #tpu.memory_space<hbm>> -> memref<128x64xf32, #tpu.memory_space<hbm>>
    tpu.wait_dma2 semaphore(%arg17 : memref<!tpu.dma_semaphore, #tpu.memory_space<semaphore_mem>>) src(%arg11 : memref<128x64xf32, #tpu.memory_space<vmem>>) dst(%dma_wait3A_557 : memref<128x64xf32, #tpu.memory_space<hbm>>)
    return
  }
}

</mosaic_0001>

<sc_bundles>
// kernel: kernel.3.cloned.1.call-start
scs
__scs_entry_jumppad:
0x0: {  	(pc) =	sbr.rel $0x88, $3  }
0x1: {  	(tag) =	ssettag $0x0;
	lr =	simm.s32 $0x1  }
0x2: {  	[smem:$0x3F9F] =	sst lr;
	_ =	strace $0xD0000000  }
0x3: {  	_ = 	snop  }
0x4: {  	_ = 	snop  }
0x5: {  	_ = 	snop  }
0x6: {  	_ = 	snop  }
0x7: {  	_ = 	snop  }
__scs_overlays_trampoline_lowered:
0x8: {  	[smem:$0x3FAE] =	sst s0  }
0x9: {  	[smem:$0x3FAF] =	sst s1  }
0xa: {  	[smem:$0x3FB0] =	sst s2  }
0xb: {  	[smem:$0x3FB1] =	sst s3  }
0xc: {  	[smem:$0x3FB2] =	sst s4  }
0xd: {  	[smem:$0x3FB3] =	sst s5  }
0xe: {  	[smem:$0x3FB4] =	sst s6  }
0xf: {  	[smem:$0x3FB5] =	sst s7  }
0x10: {  	[smem:$0x3FB6] =	sst s8  }
0x11: {  	[smem:$0x3FB7] =	sst s9;
	s0 =	simm.s32 @!p0 $0x0  }
0x12: {  	s1 =	sld [smem:$0x3F9D];
	s0 =	simm.s32 @p0 $0x1  }
0x13: {  	[smem:$0x3FB8] =	sst s0;
	s0 =	simm.s32 @!p1 $0x0  }
0x14: {  	s2 =	sld [smem:$0x3F9C];
	s0 =	simm.s32 @p1 $0x1  }
0x15: {  	[smem:$0x3FB9] =	sst s0;
	s0 =	simm.s32 @!p2 $0x0  }
0x16: {  	s3 =	sld [smem:$0x3FDB];
	s0 =	simm.s32 @p2 $0x1  }
0x17: {  	s4 =	simm.s32 $0x1BF5;
	[smem:$0x3FBB] =	sst s0  }
0x18: {  	s0 =	sld [smem:$0x3F9E];
	_ =	swait.ge [sflag:s4], $0x0  }
0x19: {  	s7 =	sld [smem:$0x3F9F]  }
0x1a: {  	s8 =	sadd.s32 $0xFFFFE003, lr  }
0x1b: {  	s9 =	sadd.s32 $0xFFFFFEF7, lr;
	s5 =	simm.s32 $0xFFFFFFFF;
	p2 =	slt.u32 s8, $0xFFFFF086  }
0x1c: {  	p1 =	slt.u32 s9, $0xF7A;
	s5 =	simm.s32 @!p2 $0x0  }
0x1d: {  	s5 =	simm.s32 @p1 $0x1;
	p0 =	seq.s32 s7, s2  }
0x1e: {  	s7 =	smul.u32 @!p0 $0xF7A, s2;
	p2 =	seq.s32 @!p0 s5, $0x0  }
0x1f: {  	s9 =	smul.u32 $0xF7A, s1;
	s8 =	simm.s32 @!p0 $0x1BF5;
	p2 =	por !p2, p0  }
0x20: {  	[sflag:s8] =	ssyncset.s32 @!p0 $0xFFFFF086;
	s6 =	sadd.s32 @!p0 s3, s7;
	s7 =	simm.s32 @!p0 $0x108  }
0x21: {  	s3 =	sadd.s32 s3, s9;
	s6 =	sadd.s32 @!p0 $0x88, s6;
	s7 =	simm.s32 @p2 $0x1082  }
0x22: {  	[simem:s7], [sflag:s8] =	dma.local @!p0 [hbm:s6], $0xF7A  }
0x23: {  	s9 =	sor.u32 $0xD0000000, s2;
	s6 =	simm.s32 $0x108;
	_ =	swait.ge @!p0 [sflag:s8], $0x0  }
0x24: {  	s3 =	sadd.s32 $0x88, s3;
	s6 =	simm.s32 @!p1 $0x1082;
	[sflag:s4] =	ssyncset.s32 $0xFFFFF086  }
0x25: {  	[simem:s6], [sflag:s4] =	dma.local [hbm:s3], $0xF7A  }
0x26: {  	[smem:$0x3F9F] =	sst s1;
	(tag) =	ssettag s2;
	_ =	strace s9  }
0x27: {  	s1 =	sld [smem:$0x3FAF]  }
0x28: {  	s2 =	sld [smem:$0x3FB0]  }
0x29: {  	s4 =	sld [smem:$0x3FB2]  }
0x2a: {  	p0 =	seq.s32 s5, $0x0;
	s5 =	sld [smem:$0x3FB3]  }
0x2b: {  	s6 =	sld [smem:$0x3FB4]  }
0x2c: {  	s7 =	sld [smem:$0x3FB5]  }
0x2d: {  	s3 =	simm.s32 $0x108;
	s8 =	sld [smem:$0x3FB6]  }
0x2e: {  	s3 =	simm.s32 @!p0 $0x1082;
	s9 =	sld [smem:$0x3FB7]  }
0x2f: {  	lr =	sadd.s32 s0, s3;
	s0 =	sld [smem:$0x3FAE]  }
0x30: {  	s3 =	sld [smem:$0x3FB1]  }
0x31: {  	[smem:$0x3FBA] =	sst s10  }
0x32: {  	s10 =	sld [smem:$0x3FB8];
	_ =	sdelay $0x3  }
0x33: {  	p0 =	seq.s32 s10, $0x1;
	s10 =	sld [smem:$0x3FBA];
	_ =	sdelay $0x3  }
0x34: {  	[smem:$0x3FBA] =	sst s10  }
0x35: {  	s10 =	sld [smem:$0x3FB9];
	_ =	sdelay $0x3  }
0x36: {  	p1 =	seq.s32 s10, $0x1;
	s10 =	sld [smem:$0x3FBA];
	_ =	sdelay $0x3  }
0x37: {  	[smem:$0x3FBA] =	sst s10  }
0x38: {  	s10 =	sld [smem:$0x3FBB]  }
0x39: {  	_ = 	snop;
	(pc) =	sbr.ind lr, $3  }
0x3a: {  	_ = 	snop  }
0x3b: {  	_ = 	snop  }
0x3c: {  	p2 =	seq.s32 s10, $0x1;
	s10 =	sld [smem:$0x3FBA]  }
0x3d: {  	_ =	shalt  }
0x3e: {  	_ =	shalt  }
0x3f: {  	_ =	shalt  }
0x40: {  	_ =	shalt  }
0x41: {  	_ =	shalt  }
0x42: {  	_ =	shalt  }
0x43: {  	_ =	shalt  }
0x44: {  	_ =	shalt  }
0x45: {  	_ =	shalt  }
0x46: {  	_ =	shalt  }
0x47: {  	_ =	shalt  }
0x48: {  	_ =	shalt  }
0x49: {  	_ =	shalt  }
0x4a: {  	_ =	shalt  }
0x4b: {  	_ =	shalt  }
0x4c: {  	_ =	shalt  }
0x4d: {  	_ =	shalt  }
0x4e: {  	_ =	shalt  }
0x4f: {  	_ =	shalt  }
0x50: {  	_ =	shalt  }
0x51: {  	_ =	shalt  }
0x52: {  	_ =	shalt  }
0x53: {  	_ =	shalt  }
0x54: {  	_ =	shalt  }
0x55: {  	_ =	shalt  }
0x56: {  	_ =	shalt  }
0x57: {  	_ =	shalt  }
0x58: {  	_ =	shalt  }
0x59: {  	_ =	shalt  }
0x5a: {  	_ =	shalt  }
0x5b: {  	_ =	shalt  }
0x5c: {  	_ =	shalt  }
0x5d: {  	_ =	shalt  }
0x5e: {  	_ =	shalt  }
0x5f: {  	_ =	shalt  }
0x60: {  	_ =	shalt  }
0x61: {  	_ =	shalt  }
0x62: {  	_ =	shalt  }
0x63: {  	_ =	shalt  }
0x64: {  	_ =	shalt  }
0x65: {  	_ =	shalt  }
0x66: {  	_ =	shalt  }
0x67: {  	_ =	shalt  }
0x68: {  	_ =	shalt  }
0x69: {  	_ =	shalt  }
0x6a: {  	_ =	shalt  }
0x6b: {  	_ =	shalt  }
0x6c: {  	_ =	shalt  }
0x6d: {  	_ =	shalt  }
0x6e: {  	_ =	shalt  }
0x6f: {  	_ =	shalt  }
0x70: {  	_ =	shalt  }
0x71: {  	_ =	shalt  }
0x72: {  	_ =	shalt  }
0x73: {  	_ =	shalt  }
0x74: {  	_ =	shalt  }
0x75: {  	_ =	shalt  }
0x76: {  	_ =	shalt  }
0x77: {  	_ =	shalt  }
0x78: {  	_ =	shalt  }
0x79: {  	_ =	shalt  }
0x7a: {  	_ =	shalt  }
0x7b: {  	_ =	shalt  }
0x7c: {  	_ =	shalt  }
0x7d: {  	_ =	shalt  }
0x7e: {  	_ =	shalt  }
0x7f: {  	_ =	shalt  }
0x80: {  	_ =	shalt  }
0x81: {  	_ =	shalt  }
0x82: {  	_ =	shalt  }
0x83: {  	_ =	shalt  }
0x84: {  	_ =	shalt  }
0x85: {  	_ =	shalt  }
0x86: {  	_ =	shalt  }
0x87: {  	_ =	shalt  }
.Lfunc_end0:
.L_simem_size_0:
called_computation.1_lowered:
.L_overlay_start_0:
0x88: {  	s2 =	sld [smem:$0x3FD9]  }
0x89: {  	s3 =	sld [smem:$0x3FFE];
	_ =	sdelay $0x1  }
0x8a: {  	s1 =	srdreg.scid  }
0x8b: {  	s0 =	sand.u32 $0x1, s1  }
0x8c: {  	s17 =	sshll.u32 s0, $0xA;
	s2 =	sadd.s32 s3, s2  }
0x8d: {  	s2 =	sadd.s32 s2, s17  }
0x8e: {  	[smem:$0x3FC6] =	sst s2  }
0x8f: {  	_ = 	snop  }
0x90: {  	s2 =	sld [smem:$0x3FC9];
	(tm) =	ssettm $0x1  }
0x91: {  	s18 =	sld [smem:$0x3FFB];
	_ =	sdelay $0x3  }
0x92: {  	_ =	strace s18  }
0x93: {  	s3 =	sld [smem:$0x3FFC];
	_ =	sdelay $0x3  }
0x94: {  	_ =	strace s3  }
0x95: {  	s3 =	sld [smem:$0x3FFD];
	_ =	sdelay $0x3  }
0x96: {  	_ =	strace s3  }
0x97: {  	_ =	strace $0x8FFFFFFF  }
0x98: {  	s19 =	sld [smem:$0x3FDB];
	_ =	sdelay $0x1  }
0x99: {  	s4 =	simm.s32 $_scs_section_size  }
0x9a: {  	s5 =	simm.s32 $_size__tile_overlayer_lowered;
	s6 =	simm.s32 $_tile_overlayer_lowered  }
0x9b: {  	s22 =	simm.s32 $0x1BFF;
	s21 =	sshll.u32 s6, $0x1;
	s3 =	sadd.s32 s4, s19  }
0x9c: {  	s7 =	simm.s32 $0x0;
	s20 =	sshll.u32 s5, $0x1;
	s5 =	sadd.s32 s21, s3  }
0x9d: {  	[timem:s7], [sflag:s22] =	dma.local [hbm:s5], s20  }
0x9e: {  	_ =	swait.ge [sflag:s22], s20  }
0x9f: {  	s4 =	ssub.s32 $0x0, s20;
	[sflag:s22] =	ssyncset.done $0x0  }
0xa0: {  	[sflag:s22] =	ssyncadd.s32 s4;
	_ =	sdelay $0x1  }
0xa1: {  	s23 =	simm.s32 $0x1B8B  }
0xa2: {  	_ =	swait.ge [sflag:s23], $0x1  }
0xa3: {  	[sflag:s23] =	ssyncset.done $0x0  }
0xa4: {  	s25 =	simm.s32 $0x1B8E;
	s24 =	sld [smem:$0x3FFE];
	[sflag:s23] =	ssyncadd.s32 $0xFFFFFFFF  }
0xa5: {  	s26 =	simm.s32 $execute0_lowered;
	[smem:$0x3FD2] =	sst s25  }
0xa6: {  	s5 =	sshll.u32 s26, $0x1;
	_ =	strace $0x80000046;
	[dreg:$0x1] =	wrdreg $0xFFFFFFFF  }
0xa7: {  	s28 =	simm.s32 $_size_execute0_lowered;
	s3 =	sadd.s32 s3, s5;
	[dreg:$0x0] =	wrdreg $0x0  }
0xa8: {  	s5 =	sshll.u32 s28, $0x1;
	[dreg:$0x2] =	wrdreg s3  }
0xa9: {  	[dreg:$0x3] =	wrdreg s5  }
0xaa: {  	[dreg:$0x4] =	wrdreg $0xC0  }
0xab: {  	_ =	task [dreg:s7], $0x5FFFF  }
0xac: {  	[dreg:$0x1] =	wrdreg $0xFFFFFFFF  }
0xad: {  	[dreg:$0x0] =	wrdreg $0x60  }
0xae: {  	[dreg:$0x2] =	wrdreg s2  }
0xaf: {  	[dreg:$0x3] =	wrdreg s24  }
0xb0: {  	[dreg:$0x4] =	wrdreg $0x9  }
0xb1: {  	_ =	task.clear_ibuf [dreg:s7], $0x5FFFF;
	_ =	strace $0x90000046  }
0xb2: {  	s29 =	simm.s32 $0x9;
	_ =	strace $0x80000048  }
0xb3: {  	_ =	swait.ge [sflag:s29], $0x1  }
0xb4: {  	[sflag:s29] =	ssyncadd.s32 $0xFFFFFFFF  }
0xb5: {  	_ =	strace $0x90000048  }
0xb6: {  	_ =	sfence  }
0xb7: {  	s30 =	sld [smem:$0x0];
	_ =	sdelay $0x2  }
0xb8: {  	s31 =	sshll.u32 s1, $0xD;
	s1 =	sshrl.u32 s1, $0x2  }
0xb9: {  	s3 =	sand.u32 $0x4000, s31;
	s1 =	sadd.s32 s1, s30  }
0xba: {  	s0 =	sor.u32 s3, s0;
	s1 =	sshll.u32 s1, $0x11  }
0xbb: {  	s0 =	sor.u32 s1, s0  }
0xbc: {  	s0 =	sadd.s32 $0x8F2B, s0  }
0xbd: {  	[sflag:s0] =	ssyncadd.remote.s32 $0x1  }
0xbe: {  	_ =	sfence.sel $0xFFFF  }
0xbf: {  	[dreg:$0x0] =	wrdreg $0xFFFFFFFF;
	(pc) =	sbr.abs _section_cstart, $3  }
0xc0: {  	[dreg:$0x1] =	wrdreg $0xFFFFFFFF  }
0xc1: {  	_ =	task.clear_ibuf [dreg:s7], $0x2FFFF;
	_ =	strace $0x9FFFFFFF  }
0xc2: {  	(tm) =	ssettm $0x7FFFFFFF  }
0xc3: {  	_ =	shalt  }
tec
execute0_lowered:
.L_overlay_start_1:
0x0: {  	(tag) =	ssettag $0x1  }
0x1: {  	s3 =	srdreg.scid  }
0x2: {  	s5 =	stileid.u32;
	s4 =	sand.u32 $0x1, s3  }
0x3: {  	s0 =	rddreg [dreg:$0x0];
	s6 =	sshll.u32 s5, $0xA;
	s7 =	sshll.u32 s4, $0x9  }
0x4: {  	s1 =	rddreg [dreg:$0x1];
	s5 =	sor.u32 s7, s6  }
0x5: {  	s2 =	simm.s32 $0x0;
	s7 =	ssub.s32 $0x2, s4;
	s4 =	sadd.s32 s0, s5  }
0x6: {  	[smem:$0x7FF] =	sst s2;
	s6 =	sshll.u32 s5, $0x4;
	s5 =	sadd.s32 $0x10, s4  }
0x7: {  	_ =	strace $0x80000047;
	s10 =	sadd.s32 $0x20, s4;
	[dreg:$0x3] =	wrdreg s5  }
0x8: {  	s11 =	sadd.s32 $0x30, s4;
	[dreg:$0x4] =	wrdreg s10  }
0x9: {  	s12 =	sadd.s32 $0x40, s4;
	[dreg:$0x5] =	wrdreg s11  }
0xa: {  	s13 =	sadd.s32 $0x50, s4;
	[dreg:$0x6] =	wrdreg s12  }
0xb: {  	s14 =	sadd.s32 $0x60, s4;
	[dreg:$0x7] =	wrdreg s13  }
0xc: {  	s15 =	sadd.s32 $0x70, s4;
	[dreg:$0x8] =	wrdreg s14  }
0xd: {  	s16 =	sadd.s32 $0x4000, s4;
	[dreg:$0x9] =	wrdreg s15  }
0xe: {  	s17 =	sadd.s32 $0x4010, s4;
	[dreg:$0xa] =	wrdreg s16  }
0xf: {  	s18 =	sadd.s32 $0x4020, s4;
	[dreg:$0xb] =	wrdreg s17  }
0x10: {  	s3 =	sadd.s32 $0xF42C00, s1;
	s19 =	sadd.s32 $0x4030, s4;
	[dreg:$0xc] =	wrdreg s18  }
0x11: {  	s8 =	sshrl.u32 s7, $0x1;
	s20 =	sadd.s32 $0x4040, s4;
	[dreg:$0xd] =	wrdreg s19  }
0x12: {  	s1 =	sadd.s32 s6, s1;
	s21 =	sadd.s32 $0x4050, s4;
	[dreg:$0xe] =	wrdreg s20  }
0x13: {  	s9 =	ssub.s32 s7, s8;
	s22 =	sadd.s32 $0x4060, s4;
	[dreg:$0xf] =	wrdreg s21  }
0x14: {  	s23 =	sadd.s32 $0x4070, s4;
	s24 =	sadd.s32 $0x8000, s4;
	[dreg:$0x10] =	wrdreg s22  }
0x15: {  	s25 =	sadd.s32 $0x8010, s4;
	s26 =	sadd.s32 $0x8020, s4;
	[dreg:$0x11] =	wrdreg s23  }
0x16: {  	s28 =	sadd.s32 $0x8030, s4;
	s29 =	sadd.s32 $0x8040, s4;
	[dreg:$0x12] =	wrdreg s24  }
0x17: {  	s30 =	sadd.s32 $0x8050, s4;
	s31 =	sadd.s32 $0x8060, s4;
	[dreg:$0x14] =	wrdreg s25  }
0x18: {  	s6 =	sadd.s32 $0xC010, s4;
	s7 =	simm.s32 $0x80;
	[dreg:$0x15] =	wrdreg s26  }
0x19: {  	s8 =	simm.s32 $0x400;
	s21 =	sadd.s32 $0x800, s1;
	[dreg:$0x16] =	wrdreg s28  }
0x1a: {  	s22 =	sadd.s32 $0x1000, s1;
	s23 =	sadd.s32 $0x1800, s1;
	[dreg:$0x17] =	wrdreg s29  }
0x1b: {  	s24 =	sadd.s32 $0x2000, s1;
	s0 =	smax.u32 s9, $0x1;
	[dreg:$0x18] =	wrdreg s30  }
0x1c: {  	[dreg:$0x19] =	wrdreg s31;
	s1 =	sadd.s32 $0x8070, s4;
	s5 =	sadd.s32 $0xC000, s4  }
0x1d: {  	s9 =	simm.s32 $0x7;
	s10 =	simm.s32 $0x1;
	s11 =	simm.s32 $0xF400  }
0x1e: {  	s12 =	simm.s32 $0x13400;
	s13 =	simm.s32 $0x2;
	s14 =	simm.s32 $0x17400  }
0x1f: {  	s15 =	simm.s32 $0x3;
	s16 =	simm.s32 $0x5;
	s17 =	simm.s32 $0x4  }
0x20: {  	s18 =	simm.s32 $0x6;
	s19 =	simm.s32 $0x0;
	[dreg:$0x13] =	wrdreg s0  }
.LBB2_1:
0x21: {  	[tilespmem:s2], [sflag:$0x7] =	stream.strided.gather [hbm4b:s4+s7], $0x200, s8, s7, $0x38;
	[tilespmem:$0x1B400] =	vst v63  }
0x22: {  	s0 =	rddreg [dreg:$0x3];
	s20 =	simm.s32 $0x200  }
0x23: {  	[tilespmem:s20], [sflag:$0x7] =	stream.strided.gather [hbm4b:s0+s7], $0x200, s8, s7, $0x38;
	[tilespmem:$0x1B400] =	vst v63  }
0x24: {  	s26 =	rddreg [dreg:$0x4]  }
0x25: {  	[tilespmem:s8], [sflag:$0x7] =	stream.strided.gather [hbm4b:s26+s7], $0x200, s8, s7, $0x38;
	[tilespmem:$0x1B400] =	vst v63  }
0x26: {  	s28 =	rddreg [dreg:$0x5];
	s29 =	simm.s32 $0x600  }
0x27: {  	[tilespmem:s29], [sflag:$0x7] =	stream.strided.gather [hbm4b:s28+s7], $0x200, s8, s7, $0x38;
	[tilespmem:$0x1B400] =	vst v63  }
0x28: {  	s30 =	rddreg [dreg:$0x6];
	s31 =	simm.s32 $0x800  }
0x29: {  	[tilespmem:s31], [sflag:$0x7] =	stream.strided.gather [hbm4b:s30+s7], $0x200, s8, s7, $0x38;
	[tilespmem:$0x1B400] =	vst v63  }
0x2a: {  	s25 =	rddreg [dreg:$0x7];
	s26 =	simm.s32 $0xA00  }
0x2b: {  	[tilespmem:s26], [sflag:$0x7] =	stream.strided.gather [hbm4b:s25+s7], $0x200, s8, s7, $0x38;
	[tilespmem:$0x1B400] =	vst v63  }
0x2c: {  	s28 =	rddreg [dreg:$0x8];
	s29 =	simm.s32 $0xC00  }
0x2d: {  	[tilespmem:s29], [sflag:$0x7] =	stream.strided.gather [hbm4b:s28+s7], $0x200, s8, s7, $0x38;
	[tilespmem:$0x1B400] =	vst v63  }
0x2e: {  	s30 =	rddreg [dreg:$0x9];
	s31 =	simm.s32 $0xE00  }
0x2f: {  	[tilespmem:s31], [sflag:$0x7] =	stream.strided.gather [hbm4b:s30+s7], $0x200, s8, s7, $0x38;
	[tilespmem:$0x1B400] =	vst v63  }
0x30: {  	s25 =	rddreg [dreg:$0xa];
	s26 =	simm.s32 $0x1000  }
0x31: {  	[tilespmem:s26], [sflag:$0x7] =	stream.strided.gather [hbm4b:s25+s7], $0x200, s8, s7, $0x38;
	[tilespmem:$0x1B400] =	vst v63  }
0x32: {  	s28 =	rddreg [dreg:$0xb];
	s29 =	simm.s32 $0x1200  }
0x33: {  	[tilespmem:s29], [sflag:$0x7] =	stream.strided.gather [hbm4b:s28+s7], $0x200, s8, s7, $0x38;
	[tilespmem:$0x1B400] =	vst v63  }
0x34: {  	s30 =	rddreg [dreg:$0xc];
	s31 =	simm.s32 $0x1400  }
0x35: {  	[tilespmem:s31], [sflag:$0x7] =	stream.strided.gather [hbm4b:s30+s7], $0x200, s8, s7, $0x38;
	[tilespmem:$0x1B400] =	vst v63  }
0x36: {  	s25 =	rddreg [dreg:$0xd];
	s26 =	simm.s32 $0x1600  }
0x37: {  	[tilespmem:s26], [sflag:$0x7] =	stream.strided.gather [hbm4b:s25+s7], $0x200, s8, s7, $0x38;
	[tilespmem:$0x1B400] =	vst v63  }
0x38: {  	s28 =	rddreg [dreg:$0xe];
	s29 =	simm.s32 $0x1800  }
0x39: {  	[tilespmem:s29], [sflag:$0x7] =	stream.strided.gather [hbm4b:s28+s7], $0x200, s8, s7, $0x38;
	[tilespmem:$0x1B400] =	vst v63  }
0x3a: {  	s30 =	rddreg [dreg:$0xf];
	s31 =	simm.s32 $0x1A00  }
0x3b: {  	[tilespmem:s31], [sflag:$0x7] =	stream.strided.gather [hbm4b:s30+s7], $0x200, s8, s7, $0x38;
	[tilespmem:$0x1B400] =	vst v63  }
0x3c: {  	s25 =	rddreg [dreg:$0x10];
	s26 =	simm.s32 $0x1C00  }
0x3d: {  	[tilespmem:s26], [sflag:$0x7] =	stream.strided.gather [hbm4b:s25+s7], $0x200, s8, s7, $0x38;
	[tilespmem:$0x1B400] =	vst v63  }
0x3e: {  	s28 =	rddreg [dreg:$0x11];
	s29 =	simm.s32 $0x1E00  }
0x3f: {  	[tilespmem:s29], [sflag:$0x7] =	stream.strided.gather [hbm4b:s28+s7], $0x200, s8, s7, $0x38;
	[tilespmem:$0x1B400] =	vst v63  }
0x40: {  	s30 =	rddreg [dreg:$0x12];
	s31 =	simm.s32 $0x2000  }
0x41: {  	[tilespmem:s31], [sflag:$0x7] =	stream.strided.gather [hbm4b:s30+s7], $0x200, s8, s7, $0x38;
	[tilespmem:$0x1B400] =	vst v63  }
0x42: {  	s25 =	rddreg [dreg:$0x14];
	s26 =	simm.s32 $0x2200  }
0x43: {  	[tilespmem:s26], [sflag:$0x7] =	stream.strided.gather [hbm4b:s25+s7], $0x200, s8, s7, $0x38;
	[tilespmem:$0x1B400] =	vst v63  }
0x44: {  	s28 =	rddreg [dreg:$0x15];
	s29 =	simm.s32 $0x2400  }
0x45: {  	[tilespmem:s29], [sflag:$0x7] =	stream.strided.gather [hbm4b:s28+s7], $0x200, s8, s7, $0x38;
	[tilespmem:$0x1B400] =	vst v63  }
0x46: {  	s30 =	rddreg [dreg:$0x16];
	s31 =	simm.s32 $0x2600  }
0x47: {  	[tilespmem:s31], [sflag:$0x7] =	stream.strided.gather [hbm4b:s30+s7], $0x200, s8, s7, $0x38;
	[tilespmem:$0x1B400] =	vst v63  }
0x48: {  	s25 =	rddreg [dreg:$0x17];
	s26 =	simm.s32 $0x2800  }
0x49: {  	[tilespmem:s26], [sflag:$0x7] =	stream.strided.gather [hbm4b:s25+s7], $0x200, s8, s7, $0x38;
	[tilespmem:$0x1B400] =	vst v63  }
0x4a: {  	s28 =	rddreg [dreg:$0x18];
	s29 =	simm.s32 $0x2A00  }
0x4b: {  	[tilespmem:s29], [sflag:$0x7] =	stream.strided.gather [hbm4b:s28+s7], $0x200, s8, s7, $0x38;
	[tilespmem:$0x1B400] =	vst v63  }
0x4c: {  	s30 =	rddreg [dreg:$0x19];
	s31 =	simm.s32 $0x2C00  }
0x4d: {  	[tilespmem:s31], [sflag:$0x7] =	stream.strided.gather [hbm4b:s30+s7], $0x200, s8, s7, $0x38;
	[tilespmem:$0x1B400] =	vst v63  }
0x4e: {  	s20 =	simm.s32 $0x2E00  }
0x4f: {  	[tilespmem:s20], [sflag:$0x7] =	stream.strided.gather [hbm4b:s1+s7], $0x200, s8, s7, $0x38;
	[tilespmem:$0x1B400] =	vst v63  }
0x50: {  	s25 =	simm.s32 $0x3000  }
0x51: {  	[tilespmem:s25], [sflag:$0x7] =	stream.strided.gather [hbm4b:s5+s7], $0x200, s8, s7, $0x38;
	[tilespmem:$0x1B400] =	vst v63  }
0x52: {  	s26 =	simm.s32 $0x3200  }
0x53: {  	[tilespmem:s26], [sflag:$0x7] =	stream.strided.gather [hbm4b:s6+s7], $0x200, s8, s7, $0x38;
	[tilespmem:$0x1B400] =	vst v63  }
0x54: {  	_ =	swait.ge [sflag:s9], $0x200  }
0x55: {  	[sflag:s9] =	ssyncset.done $0x0  }
0x56: {  	[sflag:s9] =	ssyncadd.s32 $0xFFFFFE00  }
0x57: {  	_ =	swait.ge [sflag:s9], $0x200  }
0x58: {  	[sflag:s9] =	ssyncset.done $0x0  }
0x59: {  	[sflag:s9] =	ssyncadd.s32 $0xFFFFFE00  }
0x5a: {  	_ =	swait.ge [sflag:s9], $0x200  }
0x5b: {  	[sflag:s9] =	ssyncset.done $0x0  }
0x5c: {  	[sflag:s9] =	ssyncadd.s32 $0xFFFFFE00  }
0x5d: {  	_ =	swait.ge [sflag:s9], $0x200  }
0x5e: {  	[sflag:s9] =	ssyncset.done $0x0  }
0x5f: {  	[sflag:s9] =	ssyncadd.s32 $0xFFFFFE00  }
0x60: {  	_ =	swait.ge [sflag:s9], $0x200  }
0x61: {  	[sflag:s9] =	ssyncset.done $0x0  }
0x62: {  	[sflag:s9] =	ssyncadd.s32 $0xFFFFFE00  }
0x63: {  	_ =	swait.ge [sflag:s9], $0x200  }
0x64: {  	[sflag:s9] =	ssyncset.done $0x0  }
0x65: {  	[sflag:s9] =	ssyncadd.s32 $0xFFFFFE00  }
0x66: {  	_ =	swait.ge [sflag:s9], $0x200  }
0x67: {  	[sflag:s9] =	ssyncset.done $0x0  }
0x68: {  	[sflag:s9] =	ssyncadd.s32 $0xFFFFFE00  }
0x69: {  	_ =	swait.ge [sflag:s9], $0x200  }
0x6a: {  	[sflag:s9] =	ssyncset.done $0x0  }
0x6b: {  	[sflag:s9] =	ssyncadd.s32 $0xFFFFFE00  }
0x6c: {  	_ =	swait.ge [sflag:s9], $0x200  }
0x6d: {  	[sflag:s9] =	ssyncset.done $0x0  }
0x6e: {  	[sflag:s9] =	ssyncadd.s32 $0xFFFFFE00  }
0x6f: {  	_ =	swait.ge [sflag:s9], $0x200  }
0x70: {  	[sflag:s9] =	ssyncset.done $0x0  }
0x71: {  	[sflag:s9] =	ssyncadd.s32 $0xFFFFFE00  }
0x72: {  	_ =	swait.ge [sflag:s9], $0x200  }
0x73: {  	[sflag:s9] =	ssyncset.done $0x0  }
0x74: {  	[sflag:s9] =	ssyncadd.s32 $0xFFFFFE00  }
0x75: {  	_ =	swait.ge [sflag:s9], $0x200  }
0x76: {  	[sflag:s9] =	ssyncset.done $0x0  }
0x77: {  	[sflag:s9] =	ssyncadd.s32 $0xFFFFFE00  }
0x78: {  	_ =	swait.ge [sflag:s9], $0x200  }
0x79: {  	[sflag:s9] =	ssyncset.done $0x0  }
0x7a: {  	[sflag:s9] =	ssyncadd.s32 $0xFFFFFE00  }
0x7b: {  	_ =	swait.ge [sflag:s9], $0x200  }
0x7c: {  	[sflag:s9] =	ssyncset.done $0x0  }
0x7d: {  	[sflag:s9] =	ssyncadd.s32 $0xFFFFFE00  }
0x7e: {  	_ =	swait.ge [sflag:s9], $0x200  }
0x7f: {  	[sflag:s9] =	ssyncset.done $0x0  }
0x80: {  	[sflag:s9] =	ssyncadd.s32 $0xFFFFFE00  }
0x81: {  	_ =	swait.ge [sflag:s9], $0x200  }
0x82: {  	[sflag:s9] =	ssyncset.done $0x0  }
0x83: {  	[sflag:s9] =	ssyncadd.s32 $0xFFFFFE00  }
0x84: {  	_ =	swait.ge [sflag:s9], $0x200  }
0x85: {  	[sflag:s9] =	ssyncset.done $0x0  }
0x86: {  	[sflag:s9] =	ssyncadd.s32 $0xFFFFFE00  }
0x87: {  	_ =	swait.ge [sflag:s9], $0x200  }
0x88: {  	[sflag:s9] =	ssyncset.done $0x0  }
0x89: {  	[sflag:s9] =	ssyncadd.s32 $0xFFFFFE00  }
0x8a: {  	_ =	swait.ge [sflag:s9], $0x200  }
0x8b: {  	[sflag:s9] =	ssyncset.done $0x0  }
0x8c: {  	[sflag:s9] =	ssyncadd.s32 $0xFFFFFE00  }
0x8d: {  	_ =	swait.ge [sflag:s9], $0x200  }
0x8e: {  	[sflag:s9] =	ssyncset.done $0x0  }
0x8f: {  	[sflag:s9] =	ssyncadd.s32 $0xFFFFFE00  }
0x90: {  	_ =	swait.ge [sflag:s9], $0x200  }
0x91: {  	[sflag:s9] =	ssyncset.done $0x0  }
0x92: {  	[sflag:s9] =	ssyncadd.s32 $0xFFFFFE00  }
0x93: {  	_ =	swait.ge [sflag:s9], $0x200  }
0x94: {  	[sflag:s9] =	ssyncset.done $0x0  }
0x95: {  	[sflag:s9] =	ssyncadd.s32 $0xFFFFFE00  }
0x96: {  	_ =	swait.ge [sflag:s9], $0x200  }
0x97: {  	[sflag:s9] =	ssyncset.done $0x0  }
0x98: {  	[sflag:s9] =	ssyncadd.s32 $0xFFFFFE00  }
0x99: {  	_ =	swait.ge [sflag:s9], $0x200  }
0x9a: {  	[sflag:s9] =	ssyncset.done $0x0  }
0x9b: {  	[sflag:s9] =	ssyncadd.s32 $0xFFFFFE00  }
0x9c: {  	_ =	swait.ge [sflag:s9], $0x200  }
0x9d: {  	[sflag:s9] =	ssyncset.done $0x0  }
0x9e: {  	[sflag:s9] =	ssyncadd.s32 $0xFFFFFE00  }
0x9f: {  	_ =	swait.ge [sflag:s9], $0x200  }
0xa0: {  	[sflag:s9] =	ssyncset.done $0x0  }
0xa1: {  	s28 =	simm.s32 $0x3400;
	[sflag:s9] =	ssyncadd.s32 $0xFFFFFE00  }
0xa2: {  	[tilespmem:s28], [sflag:$0x1] =	stream.indirect.gather [hbm4b:s3+s7], $0x80, s2, s7, $0xb8;
	[tilespmem:$0x1B400] =	vst v63  }
0xa3: {  	s29 =	simm.s32 $0x7400  }
0xa4: {  	[tilespmem:s29], [sflag:$0x2] =	stream.indirect.gather [hbm4b:s3+s7], $0x80, s7, s7, $0xb8;
	[tilespmem:$0x1B400] =	vst v63  }
0xa5: {  	s30 =	simm.s32 $0x100;
	s31 =	simm.s32 $0xB400;
	s20 =	simm.s32 $0x0  }
0xa6: {  	[tilespmem:s31], [sflag:$0x3] =	stream.indirect.gather [hbm4b:s3+s7], $0x80, s30, s7, $0xb8;
	[tilespmem:$0x1B400] =	vst v63  }
.LBB2_2:
0xa7: {  	_ =	swait.ge [sflag:s10], $0x4000;
	s0 =	sshll.u32 s20, $0x9  }
0xa8: {  	[sflag:s10] =	ssyncset.done $0x0;
	s25 =	sand.u32 $0x3FFFFE00, s0  }
0xa9: {  	p0 =	seq.s32 s20, $0x0;
	[sflag:s10] =	ssyncadd.s32 $0xFFFFC000;
	s0 =	sor.u32 $0x180, s25  }
0xaa: {  	[tilespmem:s11], [sflag:$0x4] =	stream.indirect.gather [hbm4b:s3+s7], $0x80, s0, s7, $0xb8;
	[tilespmem:$0x1B400] =	vst v63  }
0xab: {  	s0 =	simm.s32 @!p0 $0x5  }
0xac: {  	_ =	swait.ge @!p0 [sflag:s0], $0x4000  }
0xad: {  	[sflag:s0] =	ssyncset.done @!p0 $0x0  }
0xae: {  	[sflag:s0] =	ssyncadd.s32 @!p0 $0xFFFFC000;
	s0 =	simm.s32 $0x3500  }
0xaf: {  	v1 =	vld [tilespmem:s0+$0xFFFFFF80]  }
0xb0: {  	v0 =	vld [tilespmem:s0+$0x80]  }
0xb1: {  	v2 =	vld [tilespmem:s0+$0x0];
	_ =	sdelay $0x1  }
0xb2: {  	s26 =	simm.s32 $0x13500  }
0xb3: {  	v3 =	vld [tilespmem:s0+$0xFFFFFF00];
	[tilespmem:s26+$0xFFFFFF80] =	vst v1  }
0xb4: {  	[tilespmem:s26+$0x80] =	vst v0;
	v1 =	vld [tilespmem:s0+$0xFFFFFF90]  }
0xb5: {  	[tilespmem:s26+$0x0] =	vst v2;
	v0 =	vld [tilespmem:s0+$0x90]  }
0xb6: {  	v2 =	vld [tilespmem:s0+$0x10]  }
0xb7: {  	s28 =	simm.s32 $0x3700  }
0xb8: {  	v4 =	vld [tilespmem:s28+$0x80];
	[tilespmem:s26+$0xFFFFFF00] =	vst v3  }
0xb9: {  	v3 =	vld [tilespmem:s0+$0xFFFFFF10];
	[tilespmem:s26+$0xFFFFFF90] =	vst v1  }
0xba: {  	[tilespmem:s26+$0x90] =	vst v0;
	v1 =	vld [tilespmem:s0+$0xFFFFFFA0]  }
0xbb: {  	[tilespmem:s26+$0x10] =	vst v2;
	v0 =	vld [tilespmem:s0+$0xA0]  }
0xbc: {  	s29 =	simm.s32 $0x13700;
	v2 =	vld [tilespmem:s0+$0x20]  }
0xbd: {  	v5 =	vld [tilespmem:s28+$0xFFFFFF80];
	[tilespmem:s29+$0x80] =	vst v4  }
0xbe: {  	v4 =	vld [tilespmem:s28+$0x90];
	[tilespmem:s26+$0xFFFFFF10] =	vst v3  }
0xbf: {  	[tilespmem:s26+$0xFFFFFFA0] =	vst v1;
	v1 =	vld [tilespmem:s28+$0x0]  }
0xc0: {  	v3 =	vld [tilespmem:s28+$0xFFFFFF00];
	[tilespmem:s26+$0xA0] =	vst v0  }
0xc1: {  	[tilespmem:s26+$0x20] =	vst v2;
	v2 =	vld [tilespmem:s0+$0xFFFFFF20]  }
0xc2: {  	[tilespmem:s29+$0xFFFFFF80] =	vst v5;
	v0 =	vld [tilespmem:s0+$0xB0]  }
0xc3: {  	v5 =	vld [tilespmem:s28+$0xFFFFFF90];
	[tilespmem:s29+$0x90] =	vst v4  }
0xc4: {  	[tilespmem:s29+$0x0] =	vst v1;
	v1 =	vld [tilespmem:s0+$0xFFFFFFB0]  }
0xc5: {  	[tilespmem:s29+$0xFFFFFF00] =	vst v3;
	v6 =	vld [tilespmem:s28+$0x10]  }
0xc6: {  	v7 =	vld [tilespmem:s28+$0xFFFFFF10];
	[tilespmem:s26+$0xFFFFFF20] =	vst v2  }
0xc7: {  	[tilespmem:s26+$0xB0] =	vst v0;
	v0 =	vld [tilespmem:s0+$0xFFFFFF30]  }
0xc8: {  	[tilespmem:s29+$0xFFFFFF90] =	vst v5;
	v2 =	vld [tilespmem:s28+$0xA0]  }
0xc9: {  	v3 =	vld [tilespmem:s28+$0xFFFFFFA0];
	[tilespmem:s26+$0xFFFFFFB0] =	vst v1  }
0xca: {  	v1 =	vld [tilespmem:s0+$0x30];
	[tilespmem:s29+$0x10] =	vst v6  }
0xcb: {  	s30 =	simm.s32 $0x4;
	s31 =	simm.s32 $0x3900;
	[tilespmem:s29+$0xFFFFFF10] =	vst v7;
	v4 =	vld [tilespmem:s28+$0x20]  }
.LBB2_3:
0xcc: {  	v5 =	vld [tilespmem:s31+$0x80];
	s30 =	sadd.s32 $0x4, s30;
	[tilespmem:s26+$0xFFFFFF30] =	vst v0  }
0xcd: {  	v0 =	vld [tilespmem:s31+$0xFFFFFF80];
	p0 =	slt.u32 s30, $0x7C;
	[tilespmem:s29+$0xA0] =	vst v2  }
0xce: {  	[tilespmem:s29+$0xFFFFFFA0] =	vst v3;
	v2 =	vld [tilespmem:s28+$0xB0]  }
0xcf: {  	v3 =	vld [tilespmem:s31+$0x0];
	[tilespmem:s26+$0x30] =	vst v1;
	s26 =	smov.u32 s29  }
0xd0: {  	s29 =	sadd.s32 $0x200, s29;
	v1 =	vld [tilespmem:s31+$0xFFFFFF00];
	[tilespmem:s26+$0x20] =	vst v4  }
0xd1: {  	[tilespmem:s29+$0x80] =	vst v5;
	v4 =	vld [tilespmem:s28+$0xFFFFFF20]  }
0xd2: {  	[tilespmem:s29+$0xFFFFFF80] =	vst v0;
	v0 =	vld [tilespmem:s31+$0x90]  }
0xd3: {  	v5 =	vld [tilespmem:s31+$0xFFFFFF90];
	[tilespmem:s26+$0xB0] =	vst v2  }
0xd4: {  	[tilespmem:s29+$0x0] =	vst v3;
	v6 =	vld [tilespmem:s28+$0xFFFFFFB0]  }
0xd5: {  	[tilespmem:s29+$0xFFFFFF00] =	vst v1;
	v1 =	vld [tilespmem:s31+$0x10]  }
0xd6: {  	v7 =	vld [tilespmem:s31+$0xFFFFFF10];
	[tilespmem:s26+$0xFFFFFF20] =	vst v4  }
.Ltmp0:
0xd7: {  	[tilespmem:s29+$0x90] =	vst v0;
	v0 =	vld [tilespmem:s28+$0xFFFFFF30];
	(pc) =	sbr.rel @p0 .LBB2_3-.Ltmp0, $4  }
0xd8: {  	[tilespmem:s29+$0xFFFFFF90] =	vst v5;
	v2 =	vld [tilespmem:s31+$0xA0]  }
0xd9: {  	v3 =	vld [tilespmem:s31+$0xFFFFFFA0];
	[tilespmem:s26+$0xFFFFFFB0] =	vst v6  }
0xda: {  	[tilespmem:s29+$0x10] =	vst v1;
	v1 =	vld [tilespmem:s28+$0x30];
	s28 =	smov.u32 s31  }
0xdb: {  	s31 =	sadd.s32 $0x200, s31;
	[tilespmem:s29+$0xFFFFFF10] =	vst v7;
	v4 =	vld [tilespmem:s28+$0x20]  }
0xdc: {  	v5 =	vld [tilespmem:s28+$0xFFFFFF20]  }
0xdd: {  	[tilespmem:s26+$0xFFFFFF30] =	vst v0  }
0xde: {  	[tilespmem:s29+$0xA0] =	vst v2  }
0xdf: {  	[tilespmem:s29+$0xFFFFFFA0] =	vst v3;
	v2 =	vld [tilespmem:s28+$0xB0]  }
0xe0: {  	v3 =	vld [tilespmem:s28+$0xFFFFFFB0];
	[tilespmem:s29+$0x20] =	vst v4  }
0xe1: {  	[tilespmem:s29+$0xFFFFFF20] =	vst v5;
	v0 =	vld [tilespmem:s28+$0x30]  }
0xe2: {  	v4 =	vld [tilespmem:s28+$0xFFFFFF30]  }
0xe3: {  	[tilespmem:s26+$0x30] =	vst v1  }
0xe4: {  	[tilespmem:s29+$0xB0] =	vst v2  }
0xe5: {  	[tilespmem:s29+$0xFFFFFFB0] =	vst v3  }
0xe6: {  	s26 =	sshll.u32 s20, $0x12;
	[tilespmem:s29+$0x30] =	vst v0  }
0xe7: {  	p0 =	seq.s32 s20, $0x19;
	s0 =	sadd.s32 s26, s21;
	[tilespmem:s29+$0xFFFFFF30] =	vst v4  }
0xe8: {  	[hbm4b:s0+s2] =	stream.linear.scatter [tilespmem:s12], [sflag:$0x5], $0x4000, $0x38;
	[tilespmem:$0x1B400] =	vst v63  }
0xe9: {  	p1 =	seq.s32 @!p0 s20, $0x0;
	_ =	swait.ge [sflag:s13], $0x4000  }
0xea: {  	p1 =	por p0, !p1;
	s28 =	simm.s32 @!p0 $0x80;
	[sflag:s13] =	ssyncset.done $0x0  }
0xeb: {  	s29 =	simm.s32 @!p0 $0x3400;
	s0 =	sadd.s32 @!p0 $0x200, s25;
	[sflag:s13] =	ssyncadd.s32 $0xFFFFC000  }
0xec: {  	[tilespmem:s29], [sflag:$0x1] =	stream.indirect.gather @!p0 [hbm4b:s3+s28], $0x80, s0, s28, $0xb8;
	[tilespmem:$0x1B400] =	vst v63  }
0xed: {  	_ =	swait.ge @p1 [sflag:s18], $0x4000  }
0xee: {  	[sflag:s18] =	ssyncset.done @p1 $0x0  }
0xef: {  	s0 =	simm.s32 $0x7500;
	[sflag:s18] =	ssyncadd.s32 @p1 $0xFFFFC000  }
0xf0: {  	v1 =	vld [tilespmem:s0+$0xFFFFFF80]  }
0xf1: {  	v0 =	vld [tilespmem:s0+$0x80]  }
0xf2: {  	v2 =	vld [tilespmem:s0+$0x0];
	_ =	sdelay $0x1  }
0xf3: {  	s28 =	simm.s32 $0x17500  }
0xf4: {  	v3 =	vld [tilespmem:s0+$0xFFFFFF00];
	[tilespmem:s28+$0xFFFFFF80] =	vst v1  }
0xf5: {  	[tilespmem:s28+$0x80] =	vst v0;
	v1 =	vld [tilespmem:s0+$0xFFFFFF90]  }
0xf6: {  	[tilespmem:s28+$0x0] =	vst v2;
	v0 =	vld [tilespmem:s0+$0x90]  }
0xf7: {  	v2 =	vld [tilespmem:s0+$0x10]  }
0xf8: {  	s29 =	simm.s32 $0x7700  }
0xf9: {  	v4 =	vld [tilespmem:s29+$0x80];
	[tilespmem:s28+$0xFFFFFF00] =	vst v3  }
0xfa: {  	v3 =	vld [tilespmem:s0+$0xFFFFFF10];
	[tilespmem:s28+$0xFFFFFF90] =	vst v1  }
0xfb: {  	[tilespmem:s28+$0x90] =	vst v0;
	v1 =	vld [tilespmem:s0+$0xFFFFFFA0]  }
0xfc: {  	[tilespmem:s28+$0x10] =	vst v2;
	v0 =	vld [tilespmem:s0+$0xA0]  }
0xfd: {  	s30 =	simm.s32 $0x17700;
	v2 =	vld [tilespmem:s0+$0x20]  }
0xfe: {  	v5 =	vld [tilespmem:s29+$0xFFFFFF80];
	[tilespmem:s30+$0x80] =	vst v4  }
0xff: {  	v4 =	vld [tilespmem:s29+$0x90];
	[tilespmem:s28+$0xFFFFFF10] =	vst v3  }
0x100: {  	[tilespmem:s28+$0xFFFFFFA0] =	vst v1;
	v1 =	vld [tilespmem:s29+$0x0]  }
0x101: {  	v3 =	vld [tilespmem:s29+$0xFFFFFF00];
	[tilespmem:s28+$0xA0] =	vst v0  }
0x102: {  	[tilespmem:s28+$0x20] =	vst v2;
	v2 =	vld [tilespmem:s0+$0xFFFFFF20]  }
0x103: {  	[tilespmem:s30+$0xFFFFFF80] =	vst v5;
	v0 =	vld [tilespmem:s0+$0xB0]  }
0x104: {  	v5 =	vld [tilespmem:s29+$0xFFFFFF90];
	[tilespmem:s30+$0x90] =	vst v4  }
0x105: {  	[tilespmem:s30+$0x0] =	vst v1;
	v1 =	vld [tilespmem:s0+$0xFFFFFFB0]  }
0x106: {  	[tilespmem:s30+$0xFFFFFF00] =	vst v3;
	v6 =	vld [tilespmem:s29+$0x10]  }
0x107: {  	v7 =	vld [tilespmem:s29+$0xFFFFFF10];
	[tilespmem:s28+$0xFFFFFF20] =	vst v2  }
0x108: {  	[tilespmem:s28+$0xB0] =	vst v0;
	v0 =	vld [tilespmem:s0+$0xFFFFFF30]  }
0x109: {  	[tilespmem:s30+$0xFFFFFF90] =	vst v5;
	v2 =	vld [tilespmem:s29+$0xA0]  }
0x10a: {  	v3 =	vld [tilespmem:s29+$0xFFFFFFA0];
	[tilespmem:s28+$0xFFFFFFB0] =	vst v1  }
0x10b: {  	v1 =	vld [tilespmem:s0+$0x30];
	[tilespmem:s30+$0x10] =	vst v6  }
0x10c: {  	s31 =	simm.s32 $0x4;
	[tilespmem:s30+$0xFFFFFF10] =	vst v7;
	s0 =	simm.s32 $0x7900;
	v4 =	vld [tilespmem:s29+$0x20]  }
.LBB2_5:
0x10d: {  	v5 =	vld [tilespmem:s0+$0x80];
	s31 =	sadd.s32 $0x4, s31;
	[tilespmem:s28+$0xFFFFFF30] =	vst v0  }
0x10e: {  	v0 =	vld [tilespmem:s0+$0xFFFFFF80];
	p1 =	slt.u32 s31, $0x7C;
	[tilespmem:s30+$0xA0] =	vst v2  }
0x10f: {  	[tilespmem:s30+$0xFFFFFFA0] =	vst v3;
	v2 =	vld [tilespmem:s29+$0xB0]  }
0x110: {  	v3 =	vld [tilespmem:s0+$0x0];
	[tilespmem:s28+$0x30] =	vst v1;
	s28 =	smov.u32 s30  }
0x111: {  	s30 =	sadd.s32 $0x200, s30;
	v1 =	vld [tilespmem:s0+$0xFFFFFF00];
	[tilespmem:s28+$0x20] =	vst v4  }
0x112: {  	[tilespmem:s30+$0x80] =	vst v5;
	v4 =	vld [tilespmem:s29+$0xFFFFFF20]  }
0x113: {  	[tilespmem:s30+$0xFFFFFF80] =	vst v0;
	v0 =	vld [tilespmem:s0+$0x90]  }
0x114: {  	v5 =	vld [tilespmem:s0+$0xFFFFFF90];
	[tilespmem:s28+$0xB0] =	vst v2  }
0x115: {  	[tilespmem:s30+$0x0] =	vst v3;
	v6 =	vld [tilespmem:s29+$0xFFFFFFB0]  }
0x116: {  	[tilespmem:s30+$0xFFFFFF00] =	vst v1;
	v1 =	vld [tilespmem:s0+$0x10]  }
0x117: {  	v7 =	vld [tilespmem:s0+$0xFFFFFF10];
	[tilespmem:s28+$0xFFFFFF20] =	vst v4  }
.Ltmp1:
0x118: {  	[tilespmem:s30+$0x90] =	vst v0;
	v0 =	vld [tilespmem:s29+$0xFFFFFF30];
	(pc) =	sbr.rel @p1 .LBB2_5-.Ltmp1, $4  }
0x119: {  	[tilespmem:s30+$0xFFFFFF90] =	vst v5;
	v2 =	vld [tilespmem:s0+$0xA0]  }
0x11a: {  	v3 =	vld [tilespmem:s0+$0xFFFFFFA0];
	[tilespmem:s28+$0xFFFFFFB0] =	vst v6  }
0x11b: {  	[tilespmem:s30+$0x10] =	vst v1;
	v1 =	vld [tilespmem:s29+$0x30];
	s29 =	smov.u32 s0  }
0x11c: {  	s0 =	sadd.s32 $0x200, s0;
	[tilespmem:s30+$0xFFFFFF10] =	vst v7;
	v4 =	vld [tilespmem:s29+$0x20]  }
0x11d: {  	v5 =	vld [tilespmem:s29+$0xFFFFFF20]  }
0x11e: {  	[tilespmem:s28+$0xFFFFFF30] =	vst v0  }
0x11f: {  	[tilespmem:s30+$0xA0] =	vst v2  }
0x120: {  	[tilespmem:s30+$0xFFFFFFA0] =	vst v3;
	v2 =	vld [tilespmem:s29+$0xB0]  }
0x121: {  	v3 =	vld [tilespmem:s29+$0xFFFFFFB0];
	[tilespmem:s30+$0x20] =	vst v4  }
0x122: {  	[tilespmem:s30+$0xFFFFFF20] =	vst v5;
	v0 =	vld [tilespmem:s29+$0x30]  }
0x123: {  	v4 =	vld [tilespmem:s29+$0xFFFFFF30]  }
0x124: {  	[tilespmem:s28+$0x30] =	vst v1  }
0x125: {  	[tilespmem:s30+$0xB0] =	vst v2  }
0x126: {  	[tilespmem:s30+$0xFFFFFFB0] =	vst v3  }
0x127: {  	[tilespmem:s30+$0x30] =	vst v0  }
0x128: {  	s0 =	sadd.s32 s26, s22;
	[tilespmem:s30+$0xFFFFFF30] =	vst v4  }
0x129: {  	[hbm4b:s0+s2] =	stream.linear.scatter [tilespmem:s14], [sflag:$0x6], $0x4000, $0x38;
	[tilespmem:$0x1B400] =	vst v63  }
0x12a: {  	_ =	swait.ge [sflag:s15], $0x4000  }
0x12b: {  	s28 =	simm.s32 @!p0 $0x80;
	[sflag:s15] =	ssyncset.done $0x0  }
0x12c: {  	s29 =	simm.s32 @!p0 $0x7400;
	s0 =	sadd.s32 @!p0 $0x280, s25;
	[sflag:s15] =	ssyncadd.s32 $0xFFFFC000  }
0x12d: {  	[tilespmem:s29], [sflag:$0x2] =	stream.indirect.gather @!p0 [hbm4b:s3+s28], $0x80, s0, s28, $0xb8;
	[tilespmem:$0x1B400] =	vst v63  }
0x12e: {  	_ =	swait.ge [sflag:s16], $0x4000  }
0x12f: {  	[sflag:s16] =	ssyncset.done $0x0  }
0x130: {  	s0 =	simm.s32 $0xB500;
	[sflag:s16] =	ssyncadd.s32 $0xFFFFC000  }
0x131: {  	v1 =	vld [tilespmem:s0+$0xFFFFFF80]  }
0x132: {  	v0 =	vld [tilespmem:s0+$0x80]  }
0x133: {  	v2 =	vld [tilespmem:s0+$0x0];
	_ =	sdelay $0x1  }
0x134: {  	s28 =	simm.s32 $0x13500  }
0x135: {  	v3 =	vld [tilespmem:s0+$0xFFFFFF00];
	[tilespmem:s28+$0xFFFFFF80] =	vst v1  }
0x136: {  	[tilespmem:s28+$0x80] =	vst v0;
	v1 =	vld [tilespmem:s0+$0xFFFFFF90]  }
0x137: {  	[tilespmem:s28+$0x0] =	vst v2;
	v0 =	vld [tilespmem:s0+$0x90]  }
0x138: {  	v2 =	vld [tilespmem:s0+$0x10]  }
0x139: {  	s29 =	simm.s32 $0xB700  }
0x13a: {  	v4 =	vld [tilespmem:s29+$0x80];
	[tilespmem:s28+$0xFFFFFF00] =	vst v3  }
0x13b: {  	v3 =	vld [tilespmem:s0+$0xFFFFFF10];
	[tilespmem:s28+$0xFFFFFF90] =	vst v1  }
0x13c: {  	[tilespmem:s28+$0x90] =	vst v0;
	v1 =	vld [tilespmem:s0+$0xFFFFFFA0]  }
0x13d: {  	[tilespmem:s28+$0x10] =	vst v2;
	v0 =	vld [tilespmem:s0+$0xA0]  }
0x13e: {  	s30 =	simm.s32 $0x13700;
	v2 =	vld [tilespmem:s0+$0x20]  }
0x13f: {  	v5 =	vld [tilespmem:s29+$0xFFFFFF80];
	[tilespmem:s30+$0x80] =	vst v4  }
0x140: {  	v4 =	vld [tilespmem:s29+$0x90];
	[tilespmem:s28+$0xFFFFFF10] =	vst v3  }
0x141: {  	[tilespmem:s28+$0xFFFFFFA0] =	vst v1;
	v1 =	vld [tilespmem:s29+$0x0]  }
0x142: {  	v3 =	vld [tilespmem:s29+$0xFFFFFF00];
	[tilespmem:s28+$0xA0] =	vst v0  }
0x143: {  	[tilespmem:s28+$0x20] =	vst v2;
	v2 =	vld [tilespmem:s0+$0xFFFFFF20]  }
0x144: {  	[tilespmem:s30+$0xFFFFFF80] =	vst v5;
	v0 =	vld [tilespmem:s0+$0xB0]  }
0x145: {  	v5 =	vld [tilespmem:s29+$0xFFFFFF90];
	[tilespmem:s30+$0x90] =	vst v4  }
0x146: {  	[tilespmem:s30+$0x0] =	vst v1;
	v1 =	vld [tilespmem:s0+$0xFFFFFFB0]  }
0x147: {  	[tilespmem:s30+$0xFFFFFF00] =	vst v3;
	v6 =	vld [tilespmem:s29+$0x10]  }
0x148: {  	v7 =	vld [tilespmem:s29+$0xFFFFFF10];
	[tilespmem:s28+$0xFFFFFF20] =	vst v2  }
0x149: {  	[tilespmem:s28+$0xB0] =	vst v0;
	v0 =	vld [tilespmem:s0+$0xFFFFFF30]  }
0x14a: {  	[tilespmem:s30+$0xFFFFFF90] =	vst v5;
	v2 =	vld [tilespmem:s29+$0xA0]  }
0x14b: {  	v3 =	vld [tilespmem:s29+$0xFFFFFFA0];
	[tilespmem:s28+$0xFFFFFFB0] =	vst v1  }
0x14c: {  	v1 =	vld [tilespmem:s0+$0x30];
	[tilespmem:s30+$0x10] =	vst v6  }
0x14d: {  	s31 =	simm.s32 $0x4;
	[tilespmem:s30+$0xFFFFFF10] =	vst v7;
	s0 =	simm.s32 $0xB900;
	v4 =	vld [tilespmem:s29+$0x20]  }
.LBB2_7:
0x14e: {  	v5 =	vld [tilespmem:s0+$0x80];
	s31 =	sadd.s32 $0x4, s31;
	[tilespmem:s28+$0xFFFFFF30] =	vst v0  }
0x14f: {  	v0 =	vld [tilespmem:s0+$0xFFFFFF80];
	p1 =	slt.u32 s31, $0x7C;
	[tilespmem:s30+$0xA0] =	vst v2  }
0x150: {  	[tilespmem:s30+$0xFFFFFFA0] =	vst v3;
	v2 =	vld [tilespmem:s29+$0xB0]  }
0x151: {  	v3 =	vld [tilespmem:s0+$0x0];
	[tilespmem:s28+$0x30] =	vst v1;
	s28 =	smov.u32 s30  }
0x152: {  	s30 =	sadd.s32 $0x200, s30;
	v1 =	vld [tilespmem:s0+$0xFFFFFF00];
	[tilespmem:s28+$0x20] =	vst v4  }
0x153: {  	[tilespmem:s30+$0x80] =	vst v5;
	v4 =	vld [tilespmem:s29+$0xFFFFFF20]  }
0x154: {  	[tilespmem:s30+$0xFFFFFF80] =	vst v0;
	v0 =	vld [tilespmem:s0+$0x90]  }
0x155: {  	v5 =	vld [tilespmem:s0+$0xFFFFFF90];
	[tilespmem:s28+$0xB0] =	vst v2  }
0x156: {  	[tilespmem:s30+$0x0] =	vst v3;
	v6 =	vld [tilespmem:s29+$0xFFFFFFB0]  }
0x157: {  	[tilespmem:s30+$0xFFFFFF00] =	vst v1;
	v1 =	vld [tilespmem:s0+$0x10]  }
0x158: {  	v7 =	vld [tilespmem:s0+$0xFFFFFF10];
	[tilespmem:s28+$0xFFFFFF20] =	vst v4  }
.Ltmp2:
0x159: {  	[tilespmem:s30+$0x90] =	vst v0;
	v0 =	vld [tilespmem:s29+$0xFFFFFF30];
	(pc) =	sbr.rel @p1 .LBB2_7-.Ltmp2, $4  }
0x15a: {  	[tilespmem:s30+$0xFFFFFF90] =	vst v5;
	v2 =	vld [tilespmem:s0+$0xA0]  }
0x15b: {  	v3 =	vld [tilespmem:s0+$0xFFFFFFA0];
	[tilespmem:s28+$0xFFFFFFB0] =	vst v6  }
0x15c: {  	[tilespmem:s30+$0x10] =	vst v1;
	v1 =	vld [tilespmem:s29+$0x30];
	s29 =	smov.u32 s0  }
0x15d: {  	s0 =	sadd.s32 $0x200, s0;
	[tilespmem:s30+$0xFFFFFF10] =	vst v7;
	v4 =	vld [tilespmem:s29+$0x20]  }
0x15e: {  	v5 =	vld [tilespmem:s29+$0xFFFFFF20]  }
0x15f: {  	[tilespmem:s28+$0xFFFFFF30] =	vst v0  }
0x160: {  	[tilespmem:s30+$0xA0] =	vst v2  }
0x161: {  	[tilespmem:s30+$0xFFFFFFA0] =	vst v3;
	v2 =	vld [tilespmem:s29+$0xB0]  }
0x162: {  	v3 =	vld [tilespmem:s29+$0xFFFFFFB0];
	[tilespmem:s30+$0x20] =	vst v4  }
0x163: {  	[tilespmem:s30+$0xFFFFFF20] =	vst v5;
	v0 =	vld [tilespmem:s29+$0x30]  }
0x164: {  	v4 =	vld [tilespmem:s29+$0xFFFFFF30]  }
0x165: {  	[tilespmem:s28+$0x30] =	vst v1  }
0x166: {  	[tilespmem:s30+$0xB0] =	vst v2  }
0x167: {  	[tilespmem:s30+$0xFFFFFFB0] =	vst v3  }
0x168: {  	[tilespmem:s30+$0x30] =	vst v0  }
0x169: {  	s0 =	sadd.s32 s26, s23;
	[tilespmem:s30+$0xFFFFFF30] =	vst v4  }
0x16a: {  	[hbm4b:s0+s2] =	stream.linear.scatter [tilespmem:s12], [sflag:$0x5], $0x4000, $0x38;
	[tilespmem:$0x1B400] =	vst v63  }
0x16b: {  	_ =	swait.ge [sflag:s17], $0x4000  }
0x16c: {  	s28 =	simm.s32 @!p0 $0xB400;
	[sflag:s17] =	ssyncset.done $0x0  }
0x16d: {  	s0 =	sadd.s32 @!p0 $0x300, s25;
	s25 =	simm.s32 @!p0 $0x80;
	[sflag:s17] =	ssyncadd.s32 $0xFFFFC000  }
0x16e: {  	[tilespmem:s28], [sflag:$0x3] =	stream.indirect.gather @!p0 [hbm4b:s3+s25], $0x80, s0, s25, $0xb8;
	[tilespmem:$0x1B400] =	vst v63  }
0x16f: {  	_ =	swait.ge [sflag:s18], $0x4000  }
0x170: {  	[sflag:s18] =	ssyncset.done $0x0  }
0x171: {  	s31 =	simm.s32 $0xF500;
	[sflag:s18] =	ssyncadd.s32 $0xFFFFC000  }
0x172: {  	v1 =	vld [tilespmem:s31+$0xFFFFFF80]  }
0x173: {  	v0 =	vld [tilespmem:s31+$0x80]  }
0x174: {  	v2 =	vld [tilespmem:s31+$0x0];
	_ =	sdelay $0x1  }
0x175: {  	s25 =	simm.s32 $0x17500  }
0x176: {  	v3 =	vld [tilespmem:s31+$0xFFFFFF00];
	[tilespmem:s25+$0xFFFFFF80] =	vst v1  }
0x177: {  	[tilespmem:s25+$0x80] =	vst v0;
	v1 =	vld [tilespmem:s31+$0xFFFFFF90]  }
0x178: {  	[tilespmem:s25+$0x0] =	vst v2;
	v0 =	vld [tilespmem:s31+$0x90]  }
0x179: {  	v2 =	vld [tilespmem:s31+$0x10]  }
0x17a: {  	s28 =	simm.s32 $0xF700  }
0x17b: {  	v4 =	vld [tilespmem:s28+$0x80];
	[tilespmem:s25+$0xFFFFFF00] =	vst v3  }
0x17c: {  	v3 =	vld [tilespmem:s31+$0xFFFFFF10];
	[tilespmem:s25+$0xFFFFFF90] =	vst v1  }
0x17d: {  	[tilespmem:s25+$0x90] =	vst v0;
	v1 =	vld [tilespmem:s31+$0xFFFFFFA0]  }
0x17e: {  	[tilespmem:s25+$0x10] =	vst v2;
	v0 =	vld [tilespmem:s31+$0xA0]  }
0x17f: {  	s29 =	simm.s32 $0x17700;
	v2 =	vld [tilespmem:s31+$0x20]  }
0x180: {  	v5 =	vld [tilespmem:s28+$0xFFFFFF80];
	[tilespmem:s29+$0x80] =	vst v4  }
0x181: {  	v4 =	vld [tilespmem:s28+$0x90];
	[tilespmem:s25+$0xFFFFFF10] =	vst v3  }
0x182: {  	[tilespmem:s25+$0xFFFFFFA0] =	vst v1;
	v1 =	vld [tilespmem:s28+$0x0]  }
0x183: {  	v3 =	vld [tilespmem:s28+$0xFFFFFF00];
	[tilespmem:s25+$0xA0] =	vst v0  }
0x184: {  	[tilespmem:s25+$0x20] =	vst v2;
	v2 =	vld [tilespmem:s31+$0xFFFFFF20]  }
0x185: {  	[tilespmem:s29+$0xFFFFFF80] =	vst v5;
	v0 =	vld [tilespmem:s31+$0xB0]  }
0x186: {  	v5 =	vld [tilespmem:s28+$0xFFFFFF90];
	[tilespmem:s29+$0x90] =	vst v4  }
0x187: {  	[tilespmem:s29+$0x0] =	vst v1;
	v1 =	vld [tilespmem:s31+$0xFFFFFFB0]  }
0x188: {  	[tilespmem:s29+$0xFFFFFF00] =	vst v3;
	v6 =	vld [tilespmem:s28+$0x10]  }
0x189: {  	v7 =	vld [tilespmem:s28+$0xFFFFFF10];
	[tilespmem:s25+$0xFFFFFF20] =	vst v2  }
0x18a: {  	[tilespmem:s25+$0xB0] =	vst v0;
	v0 =	vld [tilespmem:s31+$0xFFFFFF30]  }
0x18b: {  	[tilespmem:s29+$0xFFFFFF90] =	vst v5;
	v2 =	vld [tilespmem:s28+$0xA0]  }
0x18c: {  	v3 =	vld [tilespmem:s28+$0xFFFFFFA0];
	[tilespmem:s25+$0xFFFFFFB0] =	vst v1  }
0x18d: {  	v1 =	vld [tilespmem:s31+$0x30];
	[tilespmem:s29+$0x10] =	vst v6  }
0x18e: {  	s30 =	simm.s32 $0x4;
	s0 =	simm.s32 $0xF900;
	[tilespmem:s29+$0xFFFFFF10] =	vst v7;
	v4 =	vld [tilespmem:s28+$0x20]  }
.LBB2_9:
0x18f: {  	v5 =	vld [tilespmem:s0+$0x80];
	s30 =	sadd.s32 $0x4, s30;
	[tilespmem:s25+$0xFFFFFF30] =	vst v0  }
0x190: {  	v0 =	vld [tilespmem:s0+$0xFFFFFF80];
	p0 =	slt.u32 s30, $0x7C;
	[tilespmem:s29+$0xA0] =	vst v2  }
0x191: {  	[tilespmem:s29+$0xFFFFFFA0] =	vst v3;
	v2 =	vld [tilespmem:s28+$0xB0]  }
0x192: {  	v3 =	vld [tilespmem:s0+$0x0];
	[tilespmem:s25+$0x30] =	vst v1;
	s25 =	smov.u32 s29  }
0x193: {  	s29 =	sadd.s32 $0x200, s29;
	v1 =	vld [tilespmem:s0+$0xFFFFFF00];
	[tilespmem:s25+$0x20] =	vst v4  }
0x194: {  	[tilespmem:s29+$0x80] =	vst v5;
	v4 =	vld [tilespmem:s28+$0xFFFFFF20]  }
0x195: {  	[tilespmem:s29+$0xFFFFFF80] =	vst v0;
	v0 =	vld [tilespmem:s0+$0x90]  }
0x196: {  	v5 =	vld [tilespmem:s0+$0xFFFFFF90];
	[tilespmem:s25+$0xB0] =	vst v2  }
0x197: {  	[tilespmem:s29+$0x0] =	vst v3;
	v6 =	vld [tilespmem:s28+$0xFFFFFFB0]  }
0x198: {  	[tilespmem:s29+$0xFFFFFF00] =	vst v1;
	v1 =	vld [tilespmem:s0+$0x10]  }
0x199: {  	v7 =	vld [tilespmem:s0+$0xFFFFFF10];
	[tilespmem:s25+$0xFFFFFF20] =	vst v4  }
.Ltmp3:
0x19a: {  	[tilespmem:s29+$0x90] =	vst v0;
	v0 =	vld [tilespmem:s28+$0xFFFFFF30];
	(pc) =	sbr.rel @p0 .LBB2_9-.Ltmp3, $4  }
0x19b: {  	[tilespmem:s29+$0xFFFFFF90] =	vst v5;
	v2 =	vld [tilespmem:s0+$0xA0]  }
0x19c: {  	v3 =	vld [tilespmem:s0+$0xFFFFFFA0];
	[tilespmem:s25+$0xFFFFFFB0] =	vst v6  }
0x19d: {  	[tilespmem:s29+$0x10] =	vst v1;
	v1 =	vld [tilespmem:s28+$0x30];
	s28 =	smov.u32 s0  }
0x19e: {  	s0 =	sadd.s32 $0x200, s0;
	[tilespmem:s29+$0xFFFFFF10] =	vst v7;
	v4 =	vld [tilespmem:s28+$0x20]  }
0x19f: {  	v5 =	vld [tilespmem:s28+$0xFFFFFF20];
	_ =	sdelay $0x1  }
0x1a0: {  	[tilespmem:s29+$0xA0] =	vst v2  }
0x1a1: {  	[tilespmem:s29+$0xFFFFFFA0] =	vst v3;
	v2 =	vld [tilespmem:s28+$0xB0]  }
0x1a2: {  	v3 =	vld [tilespmem:s28+$0xFFFFFFB0];
	[tilespmem:s29+$0x20] =	vst v4  }
0x1a3: {  	[tilespmem:s29+$0xFFFFFF20] =	vst v5;
	v63 =	vld [tilespmem:s28+$0x30]  }
0x1a4: {  	[tilespmem:s25+$0xFFFFFF30] =	vst v0;
	s20 =	sadd.s32 $0x1, s20;
	v62 =	vld [tilespmem:s28+$0xFFFFFF30]  }
0x1a5: {  	p0 =	sne.s32 s20, $0x1A;
	[tilespmem:s25+$0x30] =	vst v1  }
.Ltmp4:
0x1a6: {  	[tilespmem:s29+$0xB0] =	vst v2;
	(pc) =	sbr.rel @p0 .LBB2_2-.Ltmp4, $4  }
0x1a7: {  	[tilespmem:s29+$0xFFFFFFB0] =	vst v3  }
0x1a8: {  	[tilespmem:s29+$0x30] =	vst v63  }
0x1a9: {  	s0 =	sadd.s32 s26, s24;
	[tilespmem:s29+$0xFFFFFF30] =	vst v62  }
0x1aa: {  	[hbm4b:s0+s2] =	stream.linear.scatter [tilespmem:s14], [sflag:$0x6], $0x4000, $0x38;
	[tilespmem:$0x1B400] =	vst v63  }
0x1ab: {  	_ =	swait.ge [sflag:s16], $0x4000  }
0x1ac: {  	[sflag:s16] =	ssyncset.done $0x0  }
0x1ad: {  	[sflag:s16] =	ssyncadd.s32 $0xFFFFC000  }
0x1ae: {  	_ =	swait.ge [sflag:s18], $0x4000  }
0x1af: {  	s19 =	sadd.s32 $0x1, s19;
	s0 =	rddreg [dreg:$0x13]  }
0x1b0: {  	p0 =	sne.s32 s19, s0  }
.Ltmp5:
0x1b1: {  	_ = 	snop;
	(pc) =	sbr.rel @p0 .LBB2_1-.Ltmp5, $3  }
0x1b2: {  	_ =	sdelay $0x1  }
0x1b3: {  	[sflag:s18] =	ssyncset.done $0x0  }
0x1b4: {  	[sflag:s18] =	ssyncadd.s32 $0xFFFFC000  }
0x1b5: {  	_ =	sfence.sel $0x180000  }
0x1b6: {  	[bflag:$0x0] =	sbarrier.arrive $0xFFFF  }
0x1b7: {  	_ =	strace $0x90000047  }
0x1b8: {  	s0 =	stileid.u32;
	[bflag:$0x2] =	sbarrier.arrive $0xFFFF  }
0x1b9: {  	p0 =	sne.s32 s0, $0x0;
	s0 =	rddreg [dreg:$0x2]  }
0x1ba: {  	s0 =	sadd.s32 @!p0 $0x100000, s0  }
0x1bb: {  	[sflag:s0] =	ssyncadd.tile.s32 @!p0 $0x1;
	_ =	shalt  }
.Lfunc_end2:
_tile_overlayer_lowered:
.L_overlay_start_2:
0x1bc: {  	(tag) =	ssettag $0x2  }
0x1bd: {  	s0 =	rddreg [dreg:$0x0];
	s2 =	stileid.u32  }
0x1be: {  	s1 =	rddreg [dreg:$0x1];
	p0 =	sne.s32 s2, $0x0  }
0x1bf: {  	s3 =	rddreg [dreg:$0x2];
	[bflag:$0x3] =	sbarrier.arrive $0xFFFF;
	s2 =	simm.s32 @!p0 $0x1C08  }
0x1c0: {  	[timem:s3], [sflag:s2] =	dma.local @!p0 [hbm:s0], s1  }
0x1c1: {  	s0 =	simm.s32 @!p0 $0x8  }
0x1c2: {  	_ =	swait.ge @!p0 [sflag:s0], s1  }
0x1c3: {  	s1 =	ssub.s32 @!p0 $0x0, s1;
	[sflag:s0] =	ssyncset.done @!p0 $0x0  }
0x1c4: {  	[sflag:s0] =	ssyncadd.s32 @!p0 s1  }
0x1c5: {  	[bflag:$0x3] =	sbarrier.arrive $0xFFFF  }
0x1c6: {  	_ =	shalt  }

// kernel: sparse-core-data-format-call.cloned.1.call-start
scs
called_computation_lowered:
.L_overlay_start_0:
0x0: {  	s2 =	sld [smem:$0x3FD9]  }
0x1: {  	s3 =	sld [smem:$0x3FFE];
	_ =	sdelay $0x1  }
0x2: {  	s1 =	srdreg.scid  }
0x3: {  	s0 =	sand.u32 $0x1, s1  }
0x4: {  	s18 =	sshll.u32 s0, $0xA;
	s2 =	sadd.s32 s3, s2  }
0x5: {  	s2 =	sadd.s32 s2, s18  }
0x6: {  	[smem:$0x3FC6] =	sst s2  }
0x7: {  	_ = 	snop  }
0x8: {  	s2 =	sld [smem:$0x3FD0];
	(tm) =	ssettm $0x1  }
0x9: {  	s19 =	sld [smem:$0x3FFB];
	_ =	sdelay $0x3  }
0xa: {  	_ =	strace s19  }
0xb: {  	s3 =	sld [smem:$0x3FFC];
	_ =	sdelay $0x3  }
0xc: {  	_ =	strace s3  }
0xd: {  	s3 =	sld [smem:$0x3FFD];
	_ =	sdelay $0x3  }
0xe: {  	_ =	strace s3  }
0xf: {  	_ =	strace $0x8FFFFFFF  }
0x10: {  	s20 =	sld [smem:$0x3FDB];
	_ =	sdelay $0x1  }
0x11: {  	s4 =	simm.s32 $_scs_section_size  }
0x12: {  	s5 =	simm.s32 $_size__tile_overlayer_lowered;
	s6 =	simm.s32 $_tile_overlayer_lowered  }
0x13: {  	s23 =	simm.s32 $0x1BFF;
	s22 =	sshll.u32 s6, $0x1;
	s3 =	sadd.s32 s4, s20  }
0x14: {  	s7 =	simm.s32 $0x0;
	s21 =	sshll.u32 s5, $0x1;
	s5 =	sadd.s32 s22, s3  }
0x15: {  	[timem:s7], [sflag:s23] =	dma.local [hbm:s5], s21  }
0x16: {  	_ =	swait.ge [sflag:s23], s21  }
0x17: {  	s4 =	ssub.s32 $0x0, s21;
	[sflag:s23] =	ssyncset.done $0x0  }
0x18: {  	[sflag:s23] =	ssyncadd.s32 s4;
	_ =	sdelay $0x1  }
0x19: {  	s24 =	simm.s32 $0x1B8B  }
0x1a: {  	_ =	swait.ge [sflag:s24], $0x1  }
0x1b: {  	[sflag:s24] =	ssyncset.done $0x0  }
0x1c: {  	s26 =	simm.s32 $0x1B8E;
	s25 =	sld [smem:$0x3FFE];
	[sflag:s24] =	ssyncadd.s32 $0xFFFFFFFF  }
0x1d: {  	s27 =	simm.s32 $execute0_lowered;
	[smem:$0x3FD2] =	sst s26  }
0x1e: {  	s5 =	sshll.u32 s27, $0x1;
	_ =	strace $0x80000049;
	[dreg:$0x1] =	wrdreg $0xFFFFFFFF  }
0x1f: {  	s28 =	simm.s32 $_size_execute0_lowered;
	s3 =	sadd.s32 s3, s5;
	[dreg:$0x0] =	wrdreg $0x0  }
0x20: {  	s5 =	sshll.u32 s28, $0x1;
	[dreg:$0x2] =	wrdreg s3  }
0x21: {  	[dreg:$0x3] =	wrdreg s5  }
0x22: {  	[dreg:$0x4] =	wrdreg $0xC0  }
0x23: {  	_ =	task [dreg:s7], $0x5FFFF  }
0x24: {  	[dreg:$0x1] =	wrdreg $0xFFFFFFFF  }
0x25: {  	[dreg:$0x0] =	wrdreg $0x60  }
0x26: {  	[dreg:$0x2] =	wrdreg s25  }
0x27: {  	[dreg:$0x3] =	wrdreg s2  }
0x28: {  	[dreg:$0x4] =	wrdreg $0x9  }
0x29: {  	_ =	task.clear_ibuf [dreg:s7], $0x5FFFF;
	_ =	strace $0x90000049  }
0x2a: {  	s29 =	simm.s32 $0x9;
	_ =	strace $0x8000004B  }
0x2b: {  	_ =	swait.ge [sflag:s29], $0x1  }
0x2c: {  	[sflag:s29] =	ssyncadd.s32 $0xFFFFFFFF  }
0x2d: {  	_ =	strace $0x9000004B  }
0x2e: {  	_ =	sfence  }
0x2f: {  	s30 =	sld [smem:$0x0];
	_ =	sdelay $0x2  }
0x30: {  	s31 =	sshll.u32 s1, $0xD;
	s1 =	sshrl.u32 s1, $0x2  }
0x31: {  	s3 =	sand.u32 $0x4000, s31;
	s1 =	sadd.s32 s1, s30  }
0x32: {  	s0 =	sor.u32 s3, s0;
	s1 =	sshll.u32 s1, $0x11  }
0x33: {  	s0 =	sor.u32 s1, s0  }
0x34: {  	s0 =	sadd.s32 $0x8F2B, s0  }
0x35: {  	[sflag:s0] =	ssyncadd.remote.s32 $0x1  }
0x36: {  	_ =	sfence.sel $0xFFFF  }
0x37: {  	[dreg:$0x0] =	wrdreg $0xFFFFFFFF;
	(pc) =	sbr.abs _section_cstart, $3  }
0x38: {  	[dreg:$0x1] =	wrdreg $0xFFFFFFFF  }
0x39: {  	_ =	task.clear_ibuf [dreg:s7], $0x2FFFF;
	_ =	strace $0x9FFFFFFF  }
0x3a: {  	(tm) =	ssettm $0x7FFFFFFF  }
0x3b: {  	_ =	shalt  }
tec
execute0_lowered:
.L_overlay_start_1:
0x0: {  	(tag) =	ssettag $0x1  }
0x1: {  	s0 =	srdreg.scid  }
0x2: {  	s1 =	sshll.u32 s0, $0x4  }
0x3: {  	s0 =	stileid.u32;
	s1 =	sand.u32 $0x10, s1  }
0x4: {  	s7 =	rddreg [dreg:$0x0];
	s1 =	sor.u32 s0, s1  }
0x5: {  	s4 =	simm.s32 $0x1;
	s8 =	simm.s32 $0x2;
	s2 =	sshll.u32 s1, $0x7  }
0x6: {  	s13 =	simm.s32 $0x0;
	s9 =	simm.s32 $0x20000;
	s1 =	ssub.s32 $0x4000, s2  }
0x7: {  	s14 =	simm.s32 $0x0;
	s11 =	simm.s32 $0x0;
	s3 =	sand.u32 $0xF80, s1  }
0x8: {  	s12 =	simm.s32 $0x0;
	s5 =	sshrl.u32 s1, $0xC;
	p0 =	sne.s32 s3, $0x0  }
.Ltmp0:
0x9: {  	s1 =	rddreg [dreg:$0x2];
	s4 =	simm.s32 @!p0 $0x0;
	(pc) =	sbr.rel .LBB1_1-.Ltmp0, $4  }
0xa: {  	s6 =	sadd.s32 $0x800, s7;
	s3 =	rddreg [dreg:$0x1];
	s5 =	sadd.s32 s4, s5  }
0xb: {  	_ =	strace $0x8000004A;
	s4 =	simm.s32 $0x1;
	s5 =	smul.u32 $0xD, s5  }
0xc: {  	s7 =	sadd.s32 $0x40800, s7;
	s10 =	smov.u32 s2;
	[sflag:s4] =	ssyncpa.u1 $0x0  }
0xd: {  	p0 =	por $0x0, $0x0;
	[sflag:s8] =	ssyncpa.u1 $0x0;
	s8 =	sadd.s32 $0x1, s5  }
.LBB1_7:
0xe: {  	s15 =	sadd.s32 $0x1000, s10  }
0xf: {  	s13 =	sadd.s32 $0x2, s11;
	s17 =	smov.u32 s11;
	p2 =	sgt.s32 s15, $0x3FFF  }
0x10: {  	s17 =	smov.u32 @p2 s13  }
0x11: {  	s15 =	smov.u32 @p2 s2;
	p2 =	sgt.s32 s17, $0x19  }
0x12: {  	s17 =	simm.s32 @p2 $0x0;
	p2 =	sne.s32 s12, s8  }
.Ltmp1:
0x13: {  	p1 =	slt.u32 s12, $0x2;
	(pc) =	sbr.rel @!p2 .LBB1_8-.Ltmp1, $4  }
0x14: {  	s16 =	simm.s32 @!p1 $0x2  }
0x15: {  	s14 =	smov.u32 s11;
	p0 =	por !p0, !p0;
	_ =	swait.ge @!p1 [sflag:s16], $0x4000  }
0x16: {  	s13 =	smov.u32 s10;
	[sflag:s16] =	ssyncset.done @!p1 $0x0;
	s10 =	smov.u32 s15  }
0x17: {  	s12 =	sadd.s32 $0x1, s12;
	[sflag:s16] =	ssyncadd.s32 @!p1 $0xFFFFC000;
	s11 =	smov.u32 s17  }
.LBB1_1:
0x18: {  	p1 =	sge.u32 s12, s5  }
0x19: {  	s15 =	sxor.u32 @!p1 $0xFFFFFFFF, s12;
	s16 =	sshll.u32 @!p1 s11, $0x12  }
0x1a: {  	s17 =	sshll.u32 @!p1 s10, $0x4;
	s19 =	simm.s32 @!p1 $0x40;
	s20 =	simm.s32 @!p1 $0x80  }
0x1b: {  	s15 =	sshll.u32 @!p1 s15, $0xE;
	s17 =	sand.u32 @!p1 $0x3FFF0, s17;
	s18 =	sadd.s32 @!p1 s6, s16  }
0x1c: {  	s16 =	sadd.s32 @!p1 s16, s7;
	s15 =	sand.u32 @!p1 $0x4000, s15;
	s18 =	sadd.s32 @!p1 s17, s18  }
0x1d: {  	[tilespmem:s15], [sflag:$0x1] =	stream.strided.gather @!p1 [hbm4b:s18+s19], $0x2000, s20, s19, $0x38;
	[tilespmem:$0x10100] =	vst v63  }
0x1e: {  	s31 =	sadd.s32 $0xFFFFFFFF, s12;
	s16 =	sadd.s32 @!p1 s17, s16;
	s15 =	sor.u32 @!p1 $0x2000, s15  }
0x1f: {  	[tilespmem:s15], [sflag:$0x1] =	stream.strided.gather @!p1 [hbm4b:s16+s19], $0x2000, s20, s19, $0x38;
	[tilespmem:$0x10100] =	vst v63  }
0x20: {  	p1 =	sge.u32 s31, s5  }
.Ltmp2:
0x21: {  	_ = 	snop;
	(pc) =	sbr.rel @p1 .LBB1_7-.Ltmp2, $1  }
0x22: {  	_ =	sdelay $0x3  }
0x23: {  	s15 =	simm.s32 $0x1;
	s17 =	sand.u32 $0x1, s12  }
0x24: {  	_ =	swait.ge [sflag:s4], $0x4000;
	s15 =	simm.s32 @!p0 $0x0;
	s17 =	smul.u32 $0x10200, s17  }
0x25: {  	p2 =	por $0x1, $0x1;
	[sflag:s4] =	ssyncset.done $0x0;
	s16 =	smul.u32 $0x10200, s15  }
0x26: {  	s18 =	sshll.u32 s15, $0x10;
	[sflag:s4] =	ssyncadd.s32 $0xFFFFC000;
	s30 =	sshrl.u32 s17, $0x2  }
0x27: {  	s31 =	sshrl.u32 s18, $0x2;
	s18 =	simm.s32 $0x0;
	s16 =	sshrl.u32 s16, $0x2  }
0x28: {  	s15 =	sor.u32 $0x8000, s30;
	s17 =	sadd.s32 $0x20, s31;
	s16 =	sor.u32 $0x8000, s16  }
.LBB1_3:
0x29: {  	s19 =	sshll.u32 s18, $0xD  }
0x2a: {  	s19 =	sand.u32 $0x3FFFE000, s19  }
0x2b: {  	s21 =	sadd.s32 s19, s17  }
0x2c: {  	s31 =	smul.u32 $0x8100, s18;
	v3 =	vld [tilespmem:s21+$0x10]  }
0x2d: {  	v1 =	vld [tilespmem:s21+$0xFFFFFFF0]  }
0x2e: {  	s18 =	sshra.s32 s31, $0x2;
	v0 =	vld [tilespmem:s21+$0x0]  }
0x2f: {  	s18 =	sadd.s32 s18, s16;
	v2 =	vld [tilespmem:s21+$0xFFFFFFE0]  }
0x30: {  	s19 =	sadd.s32 $0x0, s18  }
0x31: {  	p1 =	por p2, p2;
	s20 =	simm.s32 $0x4;
	s21 =	sadd.s32 $0x40, s21;
	[tilespmem:s19+$0x1830 ss:$0x81] =	vst.msk $0xffff, v3  }
.LBB1_4:
0x32: {  	v3 =	vld [tilespmem:s21+$0x10];
	p2 =	sne.s32 s20, $0x1FC;
	[tilespmem:s19+$0x810 ss:$0x81] =	vst.msk $0xffff, v1;
	s22 =	smov.u32 s20;
	s20 =	sadd.s32 $0x4, s20  }
.Ltmp3:
0x33: {  	v1 =	vld [tilespmem:s21+$0xFFFFFFF0];
	[tilespmem:s19+$0x1020 ss:$0x81] =	vst.msk $0xffff, v0;
	(pc) =	sbr.rel @p2 .LBB1_4-.Ltmp3, $4  }
0x34: {  	v0 =	vld [tilespmem:s21+$0x0];
	[tilespmem:s19+$0x0 ss:$0x81] =	vst.msk $0xffff, v2  }
0x35: {  	s19 =	sshra.s32 s22, $0x2;
	v2 =	vld [tilespmem:s21+$0xFFFFFFE0]  }
0x36: {  	s19 =	sadd.s32 s19, s18  }
0x37: {  	s21 =	sadd.s32 $0x40, s21;
	[tilespmem:s19+$0x1830 ss:$0x81] =	vst.msk $0xffff, v3  }
.Ltmp4:
0x38: {  	(pc) =	sbr.rel @p1 .LBB1_3-.Ltmp4, $4  }
0x39: {  	_ = 	snop  }
0x3a: {  	[tilespmem:s19+$0x810 ss:$0x81] =	vst.msk $0xffff, v1  }
0x3b: {  	[tilespmem:s19+$0x1020 ss:$0x81] =	vst.msk $0xffff, v0  }
0x3c: {  	s18 =	simm.s32 $0x1;
	p2 =	por $0x0, $0x0;
	[tilespmem:s19+$0x0 ss:$0x81] =	vst.msk $0xffff, v2  }
0x3d: {  	s16 =	sshll.u32 s13, $0x3;
	s17 =	sand.u32 $0x78, s13;
	s14 =	sshll.u32 s14, $0x11  }
.Ltmp5:
0x3e: {  	s30 =	sand.u32 $0x1F800, s13;
	s16 =	sand.u32 $0x3C00, s16;
	(pc) =	sbr.rel .LBB1_7-.Ltmp5, $4  }
0x3f: {  	s31 =	sand.u32 $0x7, s13;
	s14 =	sadd.s32 s3, s14;
	s16 =	sor.u32 s17, s16  }
0x40: {  	s13 =	sshll.u32 s31, $0x12;
	s14 =	sadd.s32 s30, s14;
	s16 =	sshrl.u32 s16, $0x3  }
0x41: {  	s13 =	sor.u32 $0x400, s13;
	s14 =	sadd.s32 s16, s14  }
0x42: {  	[hbm4b:s14+s13] =	stream.strided.scatter [tilespmem:s15], [sflag:$0x2], $0x4000, s9, s13, $0x20;
	[tilespmem:$0x10100] =	vst v63  }
.LBB1_8:
0x43: {  	_ =	sfence.sel $0x180000  }
0x44: {  	s2 =	simm.s32 $0x1;
	[bflag:$0x0] =	sbarrier.arrive $0xFFFF  }
0x45: {  	s31 =	simm.s32 $0x2;
	[sflag:s2] =	ssyncpa.u1 $0x1  }
0x46: {  	[sflag:s31] =	ssyncpa.u1 $0x1  }
0x47: {  	p0 =	sne.s32 s0, $0x0;
	_ =	strace $0x9000004A  }
0x48: {  	s0 =	sadd.s32 @!p0 $0x100000, s1;
	[bflag:$0x2] =	sbarrier.arrive $0xFFFF  }
0x49: {  	[sflag:s0] =	ssyncadd.tile.s32 @!p0 $0x1;
	_ =	shalt  }
.Lfunc_end1:
_tile_overlayer_lowered:
.L_overlay_start_2:
0x4a: {  	(tag) =	ssettag $0x2  }
0x4b: {  	s0 =	rddreg [dreg:$0x0];
	s2 =	stileid.u32  }
0x4c: {  	s1 =	rddreg [dreg:$0x1];
	p0 =	sne.s32 s2, $0x0  }
0x4d: {  	s3 =	rddreg [dreg:$0x2];
	[bflag:$0x3] =	sbarrier.arrive $0xFFFF;
	s2 =	simm.s32 @!p0 $0x1C01  }
0x4e: {  	[timem:s3], [sflag:s2] =	dma.local @!p0 [hbm:s0], s1  }
0x4f: {  	s0 =	simm.s32 @!p0 $0x1  }
0x50: {  	_ =	swait.ge @!p0 [sflag:s0], s1  }
0x51: {  	s1 =	ssub.s32 @!p0 $0x0, s1;
	[sflag:s0] =	ssyncset.done @!p0 $0x0  }
0x52: {  	[sflag:s0] =	ssyncadd.s32 @!p0 s1  }
0x53: {  	[bflag:$0x3] =	sbarrier.arrive $0xFFFF  }
0x54: {  	_ =	shalt  }

</sc_bundles>
